<compile_context>
chip_gen: v7x
topology: tpu7x:2x2x1
jax: 0.10.2.dev20260603
libtpu: 0.0.44.dev20260713+nightly
codegen_flags: <defaults>
</compile_context>

<pallas_src>
import functools

import jax
import jax.numpy as jnp
from jax import lax
from jax.experimental import pallas as pl
from jax.experimental.pallas import tpu as pltpu
from jax.experimental.pallas import tpu_sc as plsc

_NE = 1024
_ED = 256
_B = 16
_H = 576
_BETA = 0.25

_LANES = 16
_HGRP = _H // _LANES
_CCHUNK = 64
_NCHUNK = (_ED // 2) // _CCHUNK


def _tc_body(z_ref, e2_ref, esq_ref, ones_ref,
             idx_ref, loss_ref, ppl_ref,
             counts_ref, acc_ref):
    b = pl.program_id(0)
    emb2 = e2_ref[...]
    zb = z_ref[0]

    zsq = jnp.sum(zb * zb, axis=0, keepdims=True)
    mm2 = jax.lax.dot_general(emb2, zb, (((1,), (0,)), ((), ())),
                              preferred_element_type=jnp.float32)
    d = (-zsq - esq_ref[...]) + mm2

    m = jnp.max(d, axis=0, keepdims=True)
    iota = jax.lax.broadcasted_iota(jnp.int32, (_NE, _H), 0)
    idx = jnp.max(jnp.where(d == m, iota, -1), axis=0)
    idx_ref[0, 0] = idx

    half_hot = jnp.where(iota == idx[None, :], 0.5, 0.0)
    cnt = jax.lax.dot_general(half_hot, ones_ref[...], (((1,), (0,)), ((), ())),
                              preferred_element_type=jnp.float32)
    msum = jnp.sum(m, axis=1, keepdims=True)

    @pl.when(b == 0)
    def _init():
        counts_ref[...] = cnt
        acc_ref[...] = msum

    @pl.when(b > 0)
    def _accum():
        counts_ref[...] += cnt
        acc_ref[...] += msum

    @pl.when(b == _B - 1)
    def _finalize():
        loss_ref[...] = (-(1.0 + _BETA) / (_B * _H * _ED)) * acc_ref[...]
        p = counts_ref[...] * (2.0 / (_B * _H))
        ppl_ref[...] = jnp.exp(-jnp.sum(p * jnp.log(p + 1e-10),
                                        axis=0, keepdims=True))


def _tc_select(z, emb2, esq, ones):
    return pl.pallas_call(
        _tc_body,
        grid=(_B,),
        in_specs=[
            pl.BlockSpec((1, _ED, _H), lambda b: (b, 0, 0)),
            pl.BlockSpec((_NE, _ED), lambda b: (0, 0)),
            pl.BlockSpec((_NE, 1), lambda b: (0, 0)),
            pl.BlockSpec((_H, 1), lambda b: (0, 0)),
        ],
        out_specs=[
            pl.BlockSpec((1, 1, _H), lambda b: (b, 0, 0)),
            pl.BlockSpec((1, 1), lambda b: (0, 0)),
            pl.BlockSpec((1, 1), lambda b: (0, 0)),
        ],
        out_shape=[
            jax.ShapeDtypeStruct((_B, 1, _H), jnp.int32),
            jax.ShapeDtypeStruct((1, 1), jnp.float32),
            jax.ShapeDtypeStruct((1, 1), jnp.float32),
        ],
        scratch_shapes=[
            pltpu.VMEM((_NE, 1), jnp.float32),
            pltpu.VMEM((1, 1), jnp.float32),
        ],
        compiler_params=pltpu.CompilerParams(
            dimension_semantics=("arbitrary",)),
    )(z, emb2, esq, ones)


def _sc_gather_body(embt_hbm, idx_hbm, out_hbm, idxv, ev, ov):
    b = lax.axis_index("s")
    half = lax.axis_index("c")

    pltpu.sync_copy(idx_hbm.at[pl.ds(b * _H, _H)], idxv)

    def chunk_body(chunk, carry):
        c0 = half * (_ED // 2) + chunk * _CCHUNK
        pltpu.sync_copy(embt_hbm.at[pl.ds(c0 * _NE, _CCHUNK * _NE)], ev)

        @plsc.parallel_loop(0, _CCHUNK, unroll=4)
        def row_body(i):
            base = i * _NE
            obase = i * _H
            for g in range(_HGRP):
                iv = idxv[pl.ds(g * _LANES, _LANES)]
                vals = plsc.load_gather(ev, [iv + base])
                ov[pl.ds(obase + g * _LANES, _LANES)] = vals
        pltpu.sync_copy(
            ov, out_hbm.at[pl.ds(b * (_ED * _H) + c0 * _H, _CCHUNK * _H)])
        return carry

    lax.fori_loop(0, _NCHUNK, chunk_body, 0)


@functools.partial(
    pl.kernel,
    out_type=jax.ShapeDtypeStruct((_B * _ED * _H,), jnp.float32),
    mesh=plsc.VectorSubcoreMesh(core_axis_name="c", subcore_axis_name="s"),
    scratch_types=[
        pltpu.VMEM((_H,), jnp.int32),
        pltpu.VMEM((_CCHUNK * _NE,), jnp.float32),
        pltpu.VMEM((_CCHUNK * _H,), jnp.float32),
    ],
    compiler_params=pltpu.CompilerParams(needs_layout_passes=False),
)
def _sc_gather(embt_hbm, idx_hbm, out_hbm, idxv, ev, ov):
    _sc_gather_body(embt_hbm, idx_hbm, out_hbm, idxv, ev, ov)


def kernel(z, embedding):
    emb2 = embedding + embedding
    esq = jnp.sum(embedding ** 2, axis=1).reshape(_NE, 1)
    ones = jnp.ones((_H, 1), jnp.float32)

    idx3, loss, ppl = _tc_select(z, emb2, esq, ones)

    embqt = jax.lax.dot_general(embedding, jnp.eye(_NE, dtype=jnp.float32),
                                (((0,), (0,)), ((), ())))
    embqt_flat = embqt.reshape(-1)
    zq = _sc_gather(embqt_flat, idx3.reshape(-1)).reshape(_B, _ED, _H)

    return (zq, loss[0, 0], idx3.reshape(_B, _H), ppl[0, 0])

# --- scband reference (transcript-rebuilt; emitter-appended) ---
"""Pipeline reference for scband-vector-quantiser-43696997269852 (READ-ONLY COPY).

The authoritative reference and input builder live on the scoring server;
editing this copy changes nothing except your own understanding.
"""

import jax, jax.numpy as jnp
import numpy as np

NUM_EMBED = 1024
EMBED_DIM = 256
BETA = 0.25

def setup_inputs(seed: int = 0) -> dict:
    key = jax.random.key(seed)
    k1, k2 = jax.random.split(key)
    z = jax.random.normal(k1, (16, EMBED_DIM, 576), dtype=jnp.float32)
    embedding = jax.random.uniform(k2, (NUM_EMBED, EMBED_DIM), dtype=jnp.float32,
                                   minval=-1.0 / NUM_EMBED, maxval=1.0 / NUM_EMBED)
    return {"z": z, "embedding": embedding}

def reference(z, embedding):
    # rearrange 'b c h -> b h c'
    zt = jnp.transpose(z, (0, 2, 1))
    B, H, C = zt.shape
    z_flat = zt.reshape(-1, C)
    z_flat_d = jax.lax.stop_gradient(z_flat)
    # l2 distance (negative squared distance up to constant)
    d = (-jnp.sum(z_flat_d ** 2, axis=1, keepdims=True)
         - jnp.sum(embedding ** 2, axis=1)
         + 2.0 * jnp.einsum('bd,dn->bn', z_flat_d, embedding.T))
    indices = jnp.argsort(d, axis=1)
    encoding_indices = indices[:, -1]
    re_indices = encoding_indices.reshape(B, H)
    encodings = jax.nn.one_hot(encoding_indices, NUM_EMBED, dtype=zt.dtype)
    z_q = jnp.matmul(encodings, embedding).reshape(zt.shape)
    loss = (BETA * jnp.mean((jax.lax.stop_gradient(z_q) - zt) ** 2)
            + jnp.mean((z_q - jax.lax.stop_gradient(zt)) ** 2))
    z_q_st = zt + jax.lax.stop_gradient(z_q - zt)
    z_q_out = jnp.transpose(z_q_st, (0, 2, 1))
    avg_probs = jnp.mean(encodings, axis=0)
    perplexity = jnp.exp(-jnp.sum(avg_probs * jnp.log(avg_probs + 1e-10)))
    return (z_q_out, loss, re_indices, perplexity)

if __name__ == "__main__":
    import jax
    _d = setup_inputs()
    print(jax.jit(kernel)(*tuple(_d.values())))

</pallas_src>

<mosaic_0001>
#map = affine_map<(d0, d1) -> (0)>
module attributes {stable_mosaic.version = 14 : i64} {
  func.func @_sc_gather(%arg0: i32, %arg1: i32, %arg2: memref<262144xf32, #tpu.memory_space<hbm>>, %arg3: memref<9216xi32, #tpu.memory_space<hbm>>, %arg4: memref<2359296xf32, #tpu.memory_space<hbm>>, %arg5: memref<576xi32, #tpu.memory_space<vmem>>, %arg6: memref<65536xf32, #tpu.memory_space<vmem>>, %arg7: memref<36864xf32, #tpu.memory_space<vmem>>) attributes {dimension_semantics = [#tpu.dimension_semantics<core_parallel>, #tpu.dimension_semantics<subcore_parallel>], iteration_bounds = array<i64: 2, 16>, scalar_prefetch = 0 : i64, scratch_operands = 3 : i64, tpu.core_type = #tpu.core_type<sc_vector_subcore>, window_params = [{transform_indices = #map}, {transform_indices = #map}, {transform_indices = #map}]} {
    %mul3A = arith.constant 576 : i32
    %mul3A_0 = arith.muli %arg1, %mul3A : i32
    "tpu.region"() ({
      %run_scoped3A = tpu.sem_alloc : memref<!tpu.dma_semaphore, #tpu.memory_space<semaphore_mem>>
      %dma_start3A = tpu.memref_slice %arg3[%mul3A_0] : memref<9216xi32, #tpu.memory_space<hbm>> -> memref<576xi32, #tpu.memory_space<hbm>>
      %dma_start3A_6 = tpu.memref_slice %arg3[%mul3A_0] : memref<9216xi32, #tpu.memory_space<hbm>> -> memref<576xi32, #tpu.memory_space<hbm>>
      tpu.enqueue_dma source(%dma_start3A_6 : memref<576xi32, #tpu.memory_space<hbm>>) target(%arg5 : memref<576xi32, #tpu.memory_space<vmem>>) target_semaphore(%run_scoped3A : memref<!tpu.dma_semaphore, #tpu.memory_space<semaphore_mem>>)
      %dma_wait3A = tpu.memref_slice %arg3[%mul3A_0] : memref<9216xi32, #tpu.memory_space<hbm>> -> memref<576xi32, #tpu.memory_space<hbm>>
      %dma_wait3A_7 = tpu.memref_slice %arg3[%mul3A_0] : memref<9216xi32, #tpu.memory_space<hbm>> -> memref<576xi32, #tpu.memory_space<hbm>>
      tpu.wait_dma2 semaphore(%run_scoped3A : memref<!tpu.dma_semaphore, #tpu.memory_space<semaphore_mem>>) src(%dma_wait3A_7 : memref<576xi32, #tpu.memory_space<hbm>>) dst(%arg5 : memref<576xi32, #tpu.memory_space<vmem>>)
      tpu.yield
    }) : () -> ()
    %scan3A = arith.constant 0 : i32
    %scan3A_1 = arith.constant 0 : i32
    %scan3A_2 = arith.constant 2 : i32
    %scan3A_3 = arith.addi %scan3A_1, %scan3A_2 : i32
    %scan3A_4 = arith.constant 1 : i32
    scf.for %scan3A_6 = %scan3A_1 to %scan3A_3 step %scan3A_4  : i32 {
      %mul3A_7 = arith.constant 128 : i32
      %mul3A_8 = arith.muli %arg0, %mul3A_7 : i32
      %mul3A_9 = arith.constant 64 : i32
      %mul3A_10 = arith.muli %scan3A_6, %mul3A_9 : i32
      %add3A = arith.addi %mul3A_8, %mul3A_10 : i32
      %mul3A_11 = arith.constant 1024 : i32
      %mul3A_12 = arith.muli %add3A, %mul3A_11 : i32
      "tpu.region"() ({
        %run_scoped3A = tpu.sem_alloc : memref<!tpu.dma_semaphore, #tpu.memory_space<semaphore_mem>>
        %dma_start3A = tpu.memref_slice %arg2[%mul3A_12] : memref<262144xf32, #tpu.memory_space<hbm>> -> memref<65536xf32, #tpu.memory_space<hbm>>
        %dma_start3A_20 = tpu.memref_slice %arg2[%mul3A_12] : memref<262144xf32, #tpu.memory_space<hbm>> -> memref<65536xf32, #tpu.memory_space<hbm>>
        tpu.enqueue_dma source(%dma_start3A_20 : memref<65536xf32, #tpu.memory_space<hbm>>) target(%arg6 : memref<65536xf32, #tpu.memory_space<vmem>>) target_semaphore(%run_scoped3A : memref<!tpu.dma_semaphore, #tpu.memory_space<semaphore_mem>>)
        %dma_wait3A = tpu.memref_slice %arg2[%mul3A_12] : memref<262144xf32, #tpu.memory_space<hbm>> -> memref<65536xf32, #tpu.memory_space<hbm>>
        %dma_wait3A_21 = tpu.memref_slice %arg2[%mul3A_12] : memref<262144xf32, #tpu.memory_space<hbm>> -> memref<65536xf32, #tpu.memory_space<hbm>>
        tpu.wait_dma2 semaphore(%run_scoped3A : memref<!tpu.dma_semaphore, #tpu.memory_space<semaphore_mem>>) src(%dma_wait3A_21 : memref<65536xf32, #tpu.memory_space<hbm>>) dst(%arg6 : memref<65536xf32, #tpu.memory_space<vmem>>)
        tpu.yield
      }) : () -> ()
      %parallel_loop3A = arith.constant 0 : i32
      %parallel_loop3A_13 = arith.constant 64 : i32
      %parallel_loop3A_14 = arith.constant 1 : i32
      scf.for %parallel_loop3A_20 = %parallel_loop3A to %parallel_loop3A_13 step %parallel_loop3A_14  : i32 {
        %parallel_loop3A_21 = arith.constant 1024 : i32
        %parallel_loop3A_22 = arith.muli %parallel_loop3A_20, %parallel_loop3A_21 : i32
        %parallel_loop3A_23 = arith.constant 576 : i32
        %parallel_loop3A_24 = arith.muli %parallel_loop3A_20, %parallel_loop3A_23 : i32
        %parallel_loop3A_25 = arith.constant 0 : index
        %parallel_loop3A_26 = tpu.vector_load %arg5[%parallel_loop3A_25] {strides = array<i32>} : memref<576xi32, #tpu.memory_space<vmem>>, vector<16xi32>,
        %parallel_loop3A_27 = vector.broadcast %parallel_loop3A_22 : i32 to vector<16xi32>
        %parallel_loop3A_28 = arith.addi %parallel_loop3A_26, %parallel_loop3A_27 : vector<16xi32>
        %parallel_loop3A_29 = tpu.vector_load_idx %arg6[%parallel_loop3A_28] : memref<65536xf32, #tpu.memory_space<vmem>>[vector<16xi32>], vector<16xf32>,
        %parallel_loop3A_30 = arith.constant 0 : i32
        %parallel_loop3A_31 = arith.addi %parallel_loop3A_24, %parallel_loop3A_30 : i32
        %parallel_loop3A_32 = arith.index_cast %parallel_loop3A_31 : i32 to index
        %parallel_loop3A_33 = tpu.vector_load %arg7[%parallel_loop3A_32] {strides = array<i32>} : memref<36864xf32, #tpu.memory_space<vmem>>, vector<16xf32>,
        tpu.vector_store %arg7[%parallel_loop3A_32], %parallel_loop3A_29 {strides = array<i32>} : memref<36864xf32, #tpu.memory_space<vmem>>, vector<16xf32>,
        %parallel_loop3A_34 = arith.constant 16 : index
        %parallel_loop3A_35 = tpu.vector_load %arg5[%parallel_loop3A_34] {strides = array<i32>} : memref<576xi32, #tpu.memory_space<vmem>>, vector<16xi32>,
        %parallel_loop3A_36 = vector.broadcast %parallel_loop3A_22 : i32 to vector<16xi32>
        %parallel_loop3A_37 = arith.addi %parallel_loop3A_35, %parallel_loop3A_36 : vector<16xi32>
        %parallel_loop3A_38 = tpu.vector_load_idx %arg6[%parallel_loop3A_37] : memref<65536xf32, #tpu.memory_space<vmem>>[vector<16xi32>], vector<16xf32>,
        %parallel_loop3A_39 = arith.constant 16 : i32
        %parallel_loop3A_40 = arith.addi %parallel_loop3A_24, %parallel_loop3A_39 : i32
        %parallel_loop3A_41 = arith.index_cast %parallel_loop3A_40 : i32 to index
        %parallel_loop3A_42 = tpu.vector_load %arg7[%parallel_loop3A_41] {strides = array<i32>} : memref<36864xf32, #tpu.memory_space<vmem>>, vector<16xf32>,
        tpu.vector_store %arg7[%parallel_loop3A_41], %parallel_loop3A_38 {strides = array<i32>} : memref<36864xf32, #tpu.memory_space<vmem>>, vector<16xf32>,
        %parallel_loop3A_43 = arith.constant 32 : index
        %parallel_loop3A_44 = tpu.vector_load %arg5[%parallel_loop3A_43] {strides = array<i32>} : memref<576xi32, #tpu.memory_space<vmem>>, vector<16xi32>,
        %parallel_loop3A_45 = vector.broadcast %parallel_loop3A_22 : i32 to vector<16xi32>
        %parallel_loop3A_46 = arith.addi %parallel_loop3A_44, %parallel_loop3A_45 : vector<16xi32>
        %parallel_loop3A_47 = tpu.vector_load_idx %arg6[%parallel_loop3A_46] : memref<65536xf32, #tpu.memory_space<vmem>>[vector<16xi32>], vector<16xf32>,
        %parallel_loop3A_48 = arith.constant 32 : i32
        %parallel_loop3A_49 = arith.addi %parallel_loop3A_24, %parallel_loop3A_48 : i32
        %parallel_loop3A_50 = arith.index_cast %parallel_loop3A_49 : i32 to index
        %parallel_loop3A_51 = tpu.vector_load %arg7[%parallel_loop3A_50] {strides = array<i32>} : memref<36864xf32, #tpu.memory_space<vmem>>, vector<16xf32>,
        tpu.vector_store %arg7[%parallel_loop3A_50], %parallel_loop3A_47 {strides = array<i32>} : memref<36864xf32, #tpu.memory_space<vmem>>, vector<16xf32>,
        %parallel_loop3A_52 = arith.constant 48 : index
        %parallel_loop3A_53 = tpu.vector_load %arg5[%parallel_loop3A_52] {strides = array<i32>} : memref<576xi32, #tpu.memory_space<vmem>>, vector<16xi32>,
        %parallel_loop3A_54 = vector.broadcast %parallel_loop3A_22 : i32 to vector<16xi32>
        %parallel_loop3A_55 = arith.addi %parallel_loop3A_53, %parallel_loop3A_54 : vector<16xi32>
        %parallel_loop3A_56 = tpu.vector_load_idx %arg6[%parallel_loop3A_55] : memref<65536xf32, #tpu.memory_space<vmem>>[vector<16xi32>], vector<16xf32>,
        %parallel_loop3A_57 = arith.constant 48 : i32
        %parallel_loop3A_58 = arith.addi %parallel_loop3A_24, %parallel_loop3A_57 : i32
        %parallel_loop3A_59 = arith.index_cast %parallel_loop3A_58 : i32 to index
        %parallel_loop3A_60 = tpu.vector_load %arg7[%parallel_loop3A_59] {strides = array<i32>} : memref<36864xf32, #tpu.memory_space<vmem>>, vector<16xf32>,
        tpu.vector_store %arg7[%parallel_loop3A_59], %parallel_loop3A_56 {strides = array<i32>} : memref<36864xf32, #tpu.memory_space<vmem>>, vector<16xf32>,
        %parallel_loop3A_61 = arith.constant 64 : index
        %parallel_loop3A_62 = tpu.vector_load %arg5[%parallel_loop3A_61] {strides = array<i32>} : memref<576xi32, #tpu.memory_space<vmem>>, vector<16xi32>,
        %parallel_loop3A_63 = vector.broadcast %parallel_loop3A_22 : i32 to vector<16xi32>
        %parallel_loop3A_64 = arith.addi %parallel_loop3A_62, %parallel_loop3A_63 : vector<16xi32>
        %parallel_loop3A_65 = tpu.vector_load_idx %arg6[%parallel_loop3A_64] : memref<65536xf32, #tpu.memory_space<vmem>>[vector<16xi32>], vector<16xf32>,
        %parallel_loop3A_66 = arith.constant 64 : i32
        %parallel_loop3A_67 = arith.addi %parallel_loop3A_24, %parallel_loop3A_66 : i32
        %parallel_loop3A_68 = arith.index_cast %parallel_loop3A_67 : i32 to index
        %parallel_loop3A_69 = tpu.vector_load %arg7[%parallel_loop3A_68] {strides = array<i32>} : memref<36864xf32, #tpu.memory_space<vmem>>, vector<16xf32>,
        tpu.vector_store %arg7[%parallel_loop3A_68], %parallel_loop3A_65 {strides = array<i32>} : memref<36864xf32, #tpu.memory_space<vmem>>, vector<16xf32>,
        %parallel_loop3A_70 = arith.constant 80 : index
        %parallel_loop3A_71 = tpu.vector_load %arg5[%parallel_loop3A_70] {strides = array<i32>} : memref<576xi32, #tpu.memory_space<vmem>>, vector<16xi32>,
        %parallel_loop3A_72 = vector.broadcast %parallel_loop3A_22 : i32 to vector<16xi32>
        %parallel_loop3A_73 = arith.addi %parallel_loop3A_71, %parallel_loop3A_72 : vector<16xi32>
        %parallel_loop3A_74 = tpu.vector_load_idx %arg6[%parallel_loop3A_73] : memref<65536xf32, #tpu.memory_space<vmem>>[vector<16xi32>], vector<16xf32>,
        %parallel_loop3A_75 = arith.constant 80 : i32
        %parallel_loop3A_76 = arith.addi %parallel_loop3A_24, %parallel_loop3A_75 : i32
        %parallel_loop3A_77 = arith.index_cast %parallel_loop3A_76 : i32 to index
        %parallel_loop3A_78 = tpu.vector_load %arg7[%parallel_loop3A_77] {strides = array<i32>} : memref<36864xf32, #tpu.memory_space<vmem>>, vector<16xf32>,
        tpu.vector_store %arg7[%parallel_loop3A_77], %parallel_loop3A_74 {strides = array<i32>} : memref<36864xf32, #tpu.memory_space<vmem>>, vector<16xf32>,
        %parallel_loop3A_79 = arith.constant 96 : index
        %parallel_loop3A_80 = tpu.vector_load %arg5[%parallel_loop3A_79] {strides = array<i32>} : memref<576xi32, #tpu.memory_space<vmem>>, vector<16xi32>,
        %parallel_loop3A_81 = vector.broadcast %parallel_loop3A_22 : i32 to vector<16xi32>
        %parallel_loop3A_82 = arith.addi %parallel_loop3A_80, %parallel_loop3A_81 : vector<16xi32>
        %parallel_loop3A_83 = tpu.vector_load_idx %arg6[%parallel_loop3A_82] : memref<65536xf32, #tpu.memory_space<vmem>>[vector<16xi32>], vector<16xf32>,
        %parallel_loop3A_84 = arith.constant 96 : i32
        %parallel_loop3A_85 = arith.addi %parallel_loop3A_24, %parallel_loop3A_84 : i32
        %parallel_loop3A_86 = arith.index_cast %parallel_loop3A_85 : i32 to index
        %parallel_loop3A_87 = tpu.vector_load %arg7[%parallel_loop3A_86] {strides = array<i32>} : memref<36864xf32, #tpu.memory_space<vmem>>, vector<16xf32>,
        tpu.vector_store %arg7[%parallel_loop3A_86], %parallel_loop3A_83 {strides = array<i32>} : memref<36864xf32, #tpu.memory_space<vmem>>, vector<16xf32>,
        %parallel_loop3A_88 = arith.constant 112 : index
        %parallel_loop3A_89 = tpu.vector_load %arg5[%parallel_loop3A_88] {strides = array<i32>} : memref<576xi32, #tpu.memory_space<vmem>>, vector<16xi32>,
        %parallel_loop3A_90 = vector.broadcast %parallel_loop3A_22 : i32 to vector<16xi32>
        %parallel_loop3A_91 = arith.addi %parallel_loop3A_89, %parallel_loop3A_90 : vector<16xi32>
        %parallel_loop3A_92 = tpu.vector_load_idx %arg6[%parallel_loop3A_91] : memref<65536xf32, #tpu.memory_space<vmem>>[vector<16xi32>], vector<16xf32>,
        %parallel_loop3A_93 = arith.constant 112 : i32
        %parallel_loop3A_94 = arith.addi %parallel_loop3A_24, %parallel_loop3A_93 : i32
        %parallel_loop3A_95 = arith.index_cast %parallel_loop3A_94 : i32 to index
        %parallel_loop3A_96 = tpu.vector_load %arg7[%parallel_loop3A_95] {strides = array<i32>} : memref<36864xf32, #tpu.memory_space<vmem>>, vector<16xf32>,
        tpu.vector_store %arg7[%parallel_loop3A_95], %parallel_loop3A_92 {strides = array<i32>} : memref<36864xf32, #tpu.memory_space<vmem>>, vector<16xf32>,
        %parallel_loop3A_97 = arith.constant 128 : index
        %parallel_loop3A_98 = tpu.vector_load %arg5[%parallel_loop3A_97] {strides = array<i32>} : memref<576xi32, #tpu.memory_space<vmem>>, vector<16xi32>,
        %parallel_loop3A_99 = vector.broadcast %parallel_loop3A_22 : i32 to vector<16xi32>
        %parallel_loop3A_100 = arith.addi %parallel_loop3A_98, %parallel_loop3A_99 : vector<16xi32>
        %parallel_loop3A_101 = tpu.vector_load_idx %arg6[%parallel_loop3A_100] : memref<65536xf32, #tpu.memory_space<vmem>>[vector<16xi32>], vector<16xf32>,
        %parallel_loop3A_102 = arith.constant 128 : i32
        %parallel_loop3A_103 = arith.addi %parallel_loop3A_24, %parallel_loop3A_102 : i32
        %parallel_loop3A_104 = arith.index_cast %parallel_loop3A_103 : i32 to index
        %parallel_loop3A_105 = tpu.vector_load %arg7[%parallel_loop3A_104] {strides = array<i32>} : memref<36864xf32, #tpu.memory_space<vmem>>, vector<16xf32>,
        tpu.vector_store %arg7[%parallel_loop3A_104], %parallel_loop3A_101 {strides = array<i32>} : memref<36864xf32, #tpu.memory_space<vmem>>, vector<16xf32>,
        %parallel_loop3A_106 = arith.constant 144 : index
        %parallel_loop3A_107 = tpu.vector_load %arg5[%parallel_loop3A_106] {strides = array<i32>} : memref<576xi32, #tpu.memory_space<vmem>>, vector<16xi32>,
        %parallel_loop3A_108 = vector.broadcast %parallel_loop3A_22 : i32 to vector<16xi32>
        %parallel_loop3A_109 = arith.addi %parallel_loop3A_107, %parallel_loop3A_108 : vector<16xi32>
        %parallel_loop3A_110 = tpu.vector_load_idx %arg6[%parallel_loop3A_109] : memref<65536xf32, #tpu.memory_space<vmem>>[vector<16xi32>], vector<16xf32>,
        %parallel_loop3A_111 = arith.constant 144 : i32
        %parallel_loop3A_112 = arith.addi %parallel_loop3A_24, %parallel_loop3A_111 : i32
        %parallel_loop3A_113 = arith.index_cast %parallel_loop3A_112 : i32 to index
        %parallel_loop3A_114 = tpu.vector_load %arg7[%parallel_loop3A_113] {strides = array<i32>} : memref<36864xf32, #tpu.memory_space<vmem>>, vector<16xf32>,
        tpu.vector_store %arg7[%parallel_loop3A_113], %parallel_loop3A_110 {strides = array<i32>} : memref<36864xf32, #tpu.memory_space<vmem>>, vector<16xf32>,
        %parallel_loop3A_115 = arith.constant 160 : index
        %parallel_loop3A_116 = tpu.vector_load %arg5[%parallel_loop3A_115] {strides = array<i32>} : memref<576xi32, #tpu.memory_space<vmem>>, vector<16xi32>,
        %parallel_loop3A_117 = vector.broadcast %parallel_loop3A_22 : i32 to vector<16xi32>
        %parallel_loop3A_118 = arith.addi %parallel_loop3A_116, %parallel_loop3A_117 : vector<16xi32>
        %parallel_loop3A_119 = tpu.vector_load_idx %arg6[%parallel_loop3A_118] : memref<65536xf32, #tpu.memory_space<vmem>>[vector<16xi32>], vector<16xf32>,
        %parallel_loop3A_120 = arith.constant 160 : i32
        %parallel_loop3A_121 = arith.addi %parallel_loop3A_24, %parallel_loop3A_120 : i32
        %parallel_loop3A_122 = arith.index_cast %parallel_loop3A_121 : i32 to index
        %parallel_loop3A_123 = tpu.vector_load %arg7[%parallel_loop3A_122] {strides = array<i32>} : memref<36864xf32, #tpu.memory_space<vmem>>, vector<16xf32>,
        tpu.vector_store %arg7[%parallel_loop3A_122], %parallel_loop3A_119 {strides = array<i32>} : memref<36864xf32, #tpu.memory_space<vmem>>, vector<16xf32>,
        %parallel_loop3A_124 = arith.constant 176 : index
        %parallel_loop3A_125 = tpu.vector_load %arg5[%parallel_loop3A_124] {strides = array<i32>} : memref<576xi32, #tpu.memory_space<vmem>>, vector<16xi32>,
        %parallel_loop3A_126 = vector.broadcast %parallel_loop3A_22 : i32 to vector<16xi32>
        %parallel_loop3A_127 = arith.addi %parallel_loop3A_125, %parallel_loop3A_126 : vector<16xi32>
        %parallel_loop3A_128 = tpu.vector_load_idx %arg6[%parallel_loop3A_127] : memref<65536xf32, #tpu.memory_space<vmem>>[vector<16xi32>], vector<16xf32>,
        %parallel_loop3A_129 = arith.constant 176 : i32
        %parallel_loop3A_130 = arith.addi %parallel_loop3A_24, %parallel_loop3A_129 : i32
        %parallel_loop3A_131 = arith.index_cast %parallel_loop3A_130 : i32 to index
        %parallel_loop3A_132 = tpu.vector_load %arg7[%parallel_loop3A_131] {strides = array<i32>} : memref<36864xf32, #tpu.memory_space<vmem>>, vector<16xf32>,
        tpu.vector_store %arg7[%parallel_loop3A_131], %parallel_loop3A_128 {strides = array<i32>} : memref<36864xf32, #tpu.memory_space<vmem>>, vector<16xf32>,
        %parallel_loop3A_133 = arith.constant 192 : index
        %parallel_loop3A_134 = tpu.vector_load %arg5[%parallel_loop3A_133] {strides = array<i32>} : memref<576xi32, #tpu.memory_space<vmem>>, vector<16xi32>,
        %parallel_loop3A_135 = vector.broadcast %parallel_loop3A_22 : i32 to vector<16xi32>
        %parallel_loop3A_136 = arith.addi %parallel_loop3A_134, %parallel_loop3A_135 : vector<16xi32>
        %parallel_loop3A_137 = tpu.vector_load_idx %arg6[%parallel_loop3A_136] : memref<65536xf32, #tpu.memory_space<vmem>>[vector<16xi32>], vector<16xf32>,
        %parallel_loop3A_138 = arith.constant 192 : i32
        %parallel_loop3A_139 = arith.addi %parallel_loop3A_24, %parallel_loop3A_138 : i32
        %parallel_loop3A_140 = arith.index_cast %parallel_loop3A_139 : i32 to index
        %parallel_loop3A_141 = tpu.vector_load %arg7[%parallel_loop3A_140] {strides = array<i32>} : memref<36864xf32, #tpu.memory_space<vmem>>, vector<16xf32>,
        tpu.vector_store %arg7[%parallel_loop3A_140], %parallel_loop3A_137 {strides = array<i32>} : memref<36864xf32, #tpu.memory_space<vmem>>, vector<16xf32>,
        %parallel_loop3A_142 = arith.constant 208 : index
        %parallel_loop3A_143 = tpu.vector_load %arg5[%parallel_loop3A_142] {strides = array<i32>} : memref<576xi32, #tpu.memory_space<vmem>>, vector<16xi32>,
        %parallel_loop3A_144 = vector.broadcast %parallel_loop3A_22 : i32 to vector<16xi32>
        %parallel_loop3A_145 = arith.addi %parallel_loop3A_143, %parallel_loop3A_144 : vector<16xi32>
        %parallel_loop3A_146 = tpu.vector_load_idx %arg6[%parallel_loop3A_145] : memref<65536xf32, #tpu.memory_space<vmem>>[vector<16xi32>], vector<16xf32>,
        %parallel_loop3A_147 = arith.constant 208 : i32
        %parallel_loop3A_148 = arith.addi %parallel_loop3A_24, %parallel_loop3A_147 : i32
        %parallel_loop3A_149 = arith.index_cast %parallel_loop3A_148 : i32 to index
        %parallel_loop3A_150 = tpu.vector_load %arg7[%parallel_loop3A_149] {strides = array<i32>} : memref<36864xf32, #tpu.memory_space<vmem>>, vector<16xf32>,
        tpu.vector_store %arg7[%parallel_loop3A_149], %parallel_loop3A_146 {strides = array<i32>} : memref<36864xf32, #tpu.memory_space<vmem>>, vector<16xf32>,
        %parallel_loop3A_151 = arith.constant 224 : index
        %parallel_loop3A_152 = tpu.vector_load %arg5[%parallel_loop3A_151] {strides = array<i32>} : memref<576xi32, #tpu.memory_space<vmem>>, vector<16xi32>,
        %parallel_loop3A_153 = vector.broadcast %parallel_loop3A_22 : i32 to vector<16xi32>
        %parallel_loop3A_154 = arith.addi %parallel_loop3A_152, %parallel_loop3A_153 : vector<16xi32>
        %parallel_loop3A_155 = tpu.vector_load_idx %arg6[%parallel_loop3A_154] : memref<65536xf32, #tpu.memory_space<vmem>>[vector<16xi32>], vector<16xf32>,
        %parallel_loop3A_156 = arith.constant 224 : i32
        %parallel_loop3A_157 = arith.addi %parallel_loop3A_24, %parallel_loop3A_156 : i32
        %parallel_loop3A_158 = arith.index_cast %parallel_loop3A_157 : i32 to index
        %parallel_loop3A_159 = tpu.vector_load %arg7[%parallel_loop3A_158] {strides = array<i32>} : memref<36864xf32, #tpu.memory_space<vmem>>, vector<16xf32>,
        tpu.vector_store %arg7[%parallel_loop3A_158], %parallel_loop3A_155 {strides = array<i32>} : memref<36864xf32, #tpu.memory_space<vmem>>, vector<16xf32>,
        %parallel_loop3A_160 = arith.constant 240 : index
        %parallel_loop3A_161 = tpu.vector_load %arg5[%parallel_loop3A_160] {strides = array<i32>} : memref<576xi32, #tpu.memory_space<vmem>>, vector<16xi32>,
        %parallel_loop3A_162 = vector.broadcast %parallel_loop3A_22 : i32 to vector<16xi32>
        %parallel_loop3A_163 = arith.addi %parallel_loop3A_161, %parallel_loop3A_162 : vector<16xi32>
        %parallel_loop3A_164 = tpu.vector_load_idx %arg6[%parallel_loop3A_163] : memref<65536xf32, #tpu.memory_space<vmem>>[vector<16xi32>], vector<16xf32>,
        %parallel_loop3A_165 = arith.constant 240 : i32
        %parallel_loop3A_166 = arith.addi %parallel_loop3A_24, %parallel_loop3A_165 : i32
        %parallel_loop3A_167 = arith.index_cast %parallel_loop3A_166 : i32 to index
        %parallel_loop3A_168 = tpu.vector_load %arg7[%parallel_loop3A_167] {strides = array<i32>} : memref<36864xf32, #tpu.memory_space<vmem>>, vector<16xf32>,
        tpu.vector_store %arg7[%parallel_loop3A_167], %parallel_loop3A_164 {strides = array<i32>} : memref<36864xf32, #tpu.memory_space<vmem>>, vector<16xf32>,
        %parallel_loop3A_169 = arith.constant 256 : index
        %parallel_loop3A_170 = tpu.vector_load %arg5[%parallel_loop3A_169] {strides = array<i32>} : memref<576xi32, #tpu.memory_space<vmem>>, vector<16xi32>,
        %parallel_loop3A_171 = vector.broadcast %parallel_loop3A_22 : i32 to vector<16xi32>
        %parallel_loop3A_172 = arith.addi %parallel_loop3A_170, %parallel_loop3A_171 : vector<16xi32>
        %parallel_loop3A_173 = tpu.vector_load_idx %arg6[%parallel_loop3A_172] : memref<65536xf32, #tpu.memory_space<vmem>>[vector<16xi32>], vector<16xf32>,
        %parallel_loop3A_174 = arith.constant 256 : i32
        %parallel_loop3A_175 = arith.addi %parallel_loop3A_24, %parallel_loop3A_174 : i32
        %parallel_loop3A_176 = arith.index_cast %parallel_loop3A_175 : i32 to index
        %parallel_loop3A_177 = tpu.vector_load %arg7[%parallel_loop3A_176] {strides = array<i32>} : memref<36864xf32, #tpu.memory_space<vmem>>, vector<16xf32>,
        tpu.vector_store %arg7[%parallel_loop3A_176], %parallel_loop3A_173 {strides = array<i32>} : memref<36864xf32, #tpu.memory_space<vmem>>, vector<16xf32>,
        %parallel_loop3A_178 = arith.constant 272 : index
        %parallel_loop3A_179 = tpu.vector_load %arg5[%parallel_loop3A_178] {strides = array<i32>} : memref<576xi32, #tpu.memory_space<vmem>>, vector<16xi32>,
        %parallel_loop3A_180 = vector.broadcast %parallel_loop3A_22 : i32 to vector<16xi32>
        %parallel_loop3A_181 = arith.addi %parallel_loop3A_179, %parallel_loop3A_180 : vector<16xi32>
        %parallel_loop3A_182 = tpu.vector_load_idx %arg6[%parallel_loop3A_181] : memref<65536xf32, #tpu.memory_space<vmem>>[vector<16xi32>], vector<16xf32>,
        %parallel_loop3A_183 = arith.constant 272 : i32
        %parallel_loop3A_184 = arith.addi %parallel_loop3A_24, %parallel_loop3A_183 : i32
        %parallel_loop3A_185 = arith.index_cast %parallel_loop3A_184 : i32 to index
        %parallel_loop3A_186 = tpu.vector_load %arg7[%parallel_loop3A_185] {strides = array<i32>} : memref<36864xf32, #tpu.memory_space<vmem>>, vector<16xf32>,
        tpu.vector_store %arg7[%parallel_loop3A_185], %parallel_loop3A_182 {strides = array<i32>} : memref<36864xf32, #tpu.memory_space<vmem>>, vector<16xf32>,
        %parallel_loop3A_187 = arith.constant 288 : index
        %parallel_loop3A_188 = tpu.vector_load %arg5[%parallel_loop3A_187] {strides = array<i32>} : memref<576xi32, #tpu.memory_space<vmem>>, vector<16xi32>,
        %parallel_loop3A_189 = vector.broadcast %parallel_loop3A_22 : i32 to vector<16xi32>
        %parallel_loop3A_190 = arith.addi %parallel_loop3A_188, %parallel_loop3A_189 : vector<16xi32>
        %parallel_loop3A_191 = tpu.vector_load_idx %arg6[%parallel_loop3A_190] : memref<65536xf32, #tpu.memory_space<vmem>>[vector<16xi32>], vector<16xf32>,
        %parallel_loop3A_192 = arith.constant 288 : i32
        %parallel_loop3A_193 = arith.addi %parallel_loop3A_24, %parallel_loop3A_192 : i32
        %parallel_loop3A_194 = arith.index_cast %parallel_loop3A_193 : i32 to index
        %parallel_loop3A_195 = tpu.vector_load %arg7[%parallel_loop3A_194] {strides = array<i32>} : memref<36864xf32, #tpu.memory_space<vmem>>, vector<16xf32>,
        tpu.vector_store %arg7[%parallel_loop3A_194], %parallel_loop3A_191 {strides = array<i32>} : memref<36864xf32, #tpu.memory_space<vmem>>, vector<16xf32>,
        %parallel_loop3A_196 = arith.constant 304 : index
        %parallel_loop3A_197 = tpu.vector_load %arg5[%parallel_loop3A_196] {strides = array<i32>} : memref<576xi32, #tpu.memory_space<vmem>>, vector<16xi32>,
        %parallel_loop3A_198 = vector.broadcast %parallel_loop3A_22 : i32 to vector<16xi32>
        %parallel_loop3A_199 = arith.addi %parallel_loop3A_197, %parallel_loop3A_198 : vector<16xi32>
        %parallel_loop3A_200 = tpu.vector_load_idx %arg6[%parallel_loop3A_199] : memref<65536xf32, #tpu.memory_space<vmem>>[vector<16xi32>], vector<16xf32>,
        %parallel_loop3A_201 = arith.constant 304 : i32
        %parallel_loop3A_202 = arith.addi %parallel_loop3A_24, %parallel_loop3A_201 : i32
        %parallel_loop3A_203 = arith.index_cast %parallel_loop3A_202 : i32 to index
        %parallel_loop3A_204 = tpu.vector_load %arg7[%parallel_loop3A_203] {strides = array<i32>} : memref<36864xf32, #tpu.memory_space<vmem>>, vector<16xf32>,
        tpu.vector_store %arg7[%parallel_loop3A_203], %parallel_loop3A_200 {strides = array<i32>} : memref<36864xf32, #tpu.memory_space<vmem>>, vector<16xf32>,
        %parallel_loop3A_205 = arith.constant 320 : index
        %parallel_loop3A_206 = tpu.vector_load %arg5[%parallel_loop3A_205] {strides = array<i32>} : memref<576xi32, #tpu.memory_space<vmem>>, vector<16xi32>,
        %parallel_loop3A_207 = vector.broadcast %parallel_loop3A_22 : i32 to vector<16xi32>
        %parallel_loop3A_208 = arith.addi %parallel_loop3A_206, %parallel_loop3A_207 : vector<16xi32>
        %parallel_loop3A_209 = tpu.vector_load_idx %arg6[%parallel_loop3A_208] : memref<65536xf32, #tpu.memory_space<vmem>>[vector<16xi32>], vector<16xf32>,
        %parallel_loop3A_210 = arith.constant 320 : i32
        %parallel_loop3A_211 = arith.addi %parallel_loop3A_24, %parallel_loop3A_210 : i32
        %parallel_loop3A_212 = arith.index_cast %parallel_loop3A_211 : i32 to index
        %parallel_loop3A_213 = tpu.vector_load %arg7[%parallel_loop3A_212] {strides = array<i32>} : memref<36864xf32, #tpu.memory_space<vmem>>, vector<16xf32>,
        tpu.vector_store %arg7[%parallel_loop3A_212], %parallel_loop3A_209 {strides = array<i32>} : memref<36864xf32, #tpu.memory_space<vmem>>, vector<16xf32>,
        %parallel_loop3A_214 = arith.constant 336 : index
        %parallel_loop3A_215 = tpu.vector_load %arg5[%parallel_loop3A_214] {strides = array<i32>} : memref<576xi32, #tpu.memory_space<vmem>>, vector<16xi32>,
        %parallel_loop3A_216 = vector.broadcast %parallel_loop3A_22 : i32 to vector<16xi32>
        %parallel_loop3A_217 = arith.addi %parallel_loop3A_215, %parallel_loop3A_216 : vector<16xi32>
        %parallel_loop3A_218 = tpu.vector_load_idx %arg6[%parallel_loop3A_217] : memref<65536xf32, #tpu.memory_space<vmem>>[vector<16xi32>], vector<16xf32>,
        %parallel_loop3A_219 = arith.constant 336 : i32
        %parallel_loop3A_220 = arith.addi %parallel_loop3A_24, %parallel_loop3A_219 : i32
        %parallel_loop3A_221 = arith.index_cast %parallel_loop3A_220 : i32 to index
        %parallel_loop3A_222 = tpu.vector_load %arg7[%parallel_loop3A_221] {strides = array<i32>} : memref<36864xf32, #tpu.memory_space<vmem>>, vector<16xf32>,
        tpu.vector_store %arg7[%parallel_loop3A_221], %parallel_loop3A_218 {strides = array<i32>} : memref<36864xf32, #tpu.memory_space<vmem>>, vector<16xf32>,
        %parallel_loop3A_223 = arith.constant 352 : index
        %parallel_loop3A_224 = tpu.vector_load %arg5[%parallel_loop3A_223] {strides = array<i32>} : memref<576xi32, #tpu.memory_space<vmem>>, vector<16xi32>,
        %parallel_loop3A_225 = vector.broadcast %parallel_loop3A_22 : i32 to vector<16xi32>
        %parallel_loop3A_226 = arith.addi %parallel_loop3A_224, %parallel_loop3A_225 : vector<16xi32>
        %parallel_loop3A_227 = tpu.vector_load_idx %arg6[%parallel_loop3A_226] : memref<65536xf32, #tpu.memory_space<vmem>>[vector<16xi32>], vector<16xf32>,
        %parallel_loop3A_228 = arith.constant 352 : i32
        %parallel_loop3A_229 = arith.addi %parallel_loop3A_24, %parallel_loop3A_228 : i32
        %parallel_loop3A_230 = arith.index_cast %parallel_loop3A_229 : i32 to index
        %parallel_loop3A_231 = tpu.vector_load %arg7[%parallel_loop3A_230] {strides = array<i32>} : memref<36864xf32, #tpu.memory_space<vmem>>, vector<16xf32>,
        tpu.vector_store %arg7[%parallel_loop3A_230], %parallel_loop3A_227 {strides = array<i32>} : memref<36864xf32, #tpu.memory_space<vmem>>, vector<16xf32>,
        %parallel_loop3A_232 = arith.constant 368 : index
        %parallel_loop3A_233 = tpu.vector_load %arg5[%parallel_loop3A_232] {strides = array<i32>} : memref<576xi32, #tpu.memory_space<vmem>>, vector<16xi32>,
        %parallel_loop3A_234 = vector.broadcast %parallel_loop3A_22 : i32 to vector<16xi32>
        %parallel_loop3A_235 = arith.addi %parallel_loop3A_233, %parallel_loop3A_234 : vector<16xi32>
        %parallel_loop3A_236 = tpu.vector_load_idx %arg6[%parallel_loop3A_235] : memref<65536xf32, #tpu.memory_space<vmem>>[vector<16xi32>], vector<16xf32>,
        %parallel_loop3A_237 = arith.constant 368 : i32
        %parallel_loop3A_238 = arith.addi %parallel_loop3A_24, %parallel_loop3A_237 : i32
        %parallel_loop3A_239 = arith.index_cast %parallel_loop3A_238 : i32 to index
        %parallel_loop3A_240 = tpu.vector_load %arg7[%parallel_loop3A_239] {strides = array<i32>} : memref<36864xf32, #tpu.memory_space<vmem>>, vector<16xf32>,
        tpu.vector_store %arg7[%parallel_loop3A_239], %parallel_loop3A_236 {strides = array<i32>} : memref<36864xf32, #tpu.memory_space<vmem>>, vector<16xf32>,
        %parallel_loop3A_241 = arith.constant 384 : index
        %parallel_loop3A_242 = tpu.vector_load %arg5[%parallel_loop3A_241] {strides = array<i32>} : memref<576xi32, #tpu.memory_space<vmem>>, vector<16xi32>,
        %parallel_loop3A_243 = vector.broadcast %parallel_loop3A_22 : i32 to vector<16xi32>
        %parallel_loop3A_244 = arith.addi %parallel_loop3A_242, %parallel_loop3A_243 : vector<16xi32>
        %parallel_loop3A_245 = tpu.vector_load_idx %arg6[%parallel_loop3A_244] : memref<65536xf32, #tpu.memory_space<vmem>>[vector<16xi32>], vector<16xf32>,
        %parallel_loop3A_246 = arith.constant 384 : i32
        %parallel_loop3A_247 = arith.addi %parallel_loop3A_24, %parallel_loop3A_246 : i32
        %parallel_loop3A_248 = arith.index_cast %parallel_loop3A_247 : i32 to index
        %parallel_loop3A_249 = tpu.vector_load %arg7[%parallel_loop3A_248] {strides = array<i32>} : memref<36864xf32, #tpu.memory_space<vmem>>, vector<16xf32>,
        tpu.vector_store %arg7[%parallel_loop3A_248], %parallel_loop3A_245 {strides = array<i32>} : memref<36864xf32, #tpu.memory_space<vmem>>, vector<16xf32>,
        %parallel_loop3A_250 = arith.constant 400 : index
        %parallel_loop3A_251 = tpu.vector_load %arg5[%parallel_loop3A_250] {strides = array<i32>} : memref<576xi32, #tpu.memory_space<vmem>>, vector<16xi32>,
        %parallel_loop3A_252 = vector.broadcast %parallel_loop3A_22 : i32 to vector<16xi32>
        %parallel_loop3A_253 = arith.addi %parallel_loop3A_251, %parallel_loop3A_252 : vector<16xi32>
        %parallel_loop3A_254 = tpu.vector_load_idx %arg6[%parallel_loop3A_253] : memref<65536xf32, #tpu.memory_space<vmem>>[vector<16xi32>], vector<16xf32>,
        %parallel_loop3A_255 = arith.constant 400 : i32
        %parallel_loop3A_256 = arith.addi %parallel_loop3A_24, %parallel_loop3A_255 : i32
        %parallel_loop3A_257 = arith.index_cast %parallel_loop3A_256 : i32 to index
        %parallel_loop3A_258 = tpu.vector_load %arg7[%parallel_loop3A_257] {strides = array<i32>} : memref<36864xf32, #tpu.memory_space<vmem>>, vector<16xf32>,
        tpu.vector_store %arg7[%parallel_loop3A_257], %parallel_loop3A_254 {strides = array<i32>} : memref<36864xf32, #tpu.memory_space<vmem>>, vector<16xf32>,
        %parallel_loop3A_259 = arith.constant 416 : index
        %parallel_loop3A_260 = tpu.vector_load %arg5[%parallel_loop3A_259] {strides = array<i32>} : memref<576xi32, #tpu.memory_space<vmem>>, vector<16xi32>,
        %parallel_loop3A_261 = vector.broadcast %parallel_loop3A_22 : i32 to vector<16xi32>
        %parallel_loop3A_262 = arith.addi %parallel_loop3A_260, %parallel_loop3A_261 : vector<16xi32>
        %parallel_loop3A_263 = tpu.vector_load_idx %arg6[%parallel_loop3A_262] : memref<65536xf32, #tpu.memory_space<vmem>>[vector<16xi32>], vector<16xf32>,
        %parallel_loop3A_264 = arith.constant 416 : i32
        %parallel_loop3A_265 = arith.addi %parallel_loop3A_24, %parallel_loop3A_264 : i32
        %parallel_loop3A_266 = arith.index_cast %parallel_loop3A_265 : i32 to index
        %parallel_loop3A_267 = tpu.vector_load %arg7[%parallel_loop3A_266] {strides = array<i32>} : memref<36864xf32, #tpu.memory_space<vmem>>, vector<16xf32>,
        tpu.vector_store %arg7[%parallel_loop3A_266], %parallel_loop3A_263 {strides = array<i32>} : memref<36864xf32, #tpu.memory_space<vmem>>, vector<16xf32>,
        %parallel_loop3A_268 = arith.constant 432 : index
        %parallel_loop3A_269 = tpu.vector_load %arg5[%parallel_loop3A_268] {strides = array<i32>} : memref<576xi32, #tpu.memory_space<vmem>>, vector<16xi32>,
        %parallel_loop3A_270 = vector.broadcast %parallel_loop3A_22 : i32 to vector<16xi32>
        %parallel_loop3A_271 = arith.addi %parallel_loop3A_269, %parallel_loop3A_270 : vector<16xi32>
        %parallel_loop3A_272 = tpu.vector_load_idx %arg6[%parallel_loop3A_271] : memref<65536xf32, #tpu.memory_space<vmem>>[vector<16xi32>], vector<16xf32>,
        %parallel_loop3A_273 = arith.constant 432 : i32
        %parallel_loop3A_274 = arith.addi %parallel_loop3A_24, %parallel_loop3A_273 : i32
        %parallel_loop3A_275 = arith.index_cast %parallel_loop3A_274 : i32 to index
        %parallel_loop3A_276 = tpu.vector_load %arg7[%parallel_loop3A_275] {strides = array<i32>} : memref<36864xf32, #tpu.memory_space<vmem>>, vector<16xf32>,
        tpu.vector_store %arg7[%parallel_loop3A_275], %parallel_loop3A_272 {strides = array<i32>} : memref<36864xf32, #tpu.memory_space<vmem>>, vector<16xf32>,
        %parallel_loop3A_277 = arith.constant 448 : index
        %parallel_loop3A_278 = tpu.vector_load %arg5[%parallel_loop3A_277] {strides = array<i32>} : memref<576xi32, #tpu.memory_space<vmem>>, vector<16xi32>,
        %parallel_loop3A_279 = vector.broadcast %parallel_loop3A_22 : i32 to vector<16xi32>
        %parallel_loop3A_280 = arith.addi %parallel_loop3A_278, %parallel_loop3A_279 : vector<16xi32>
        %parallel_loop3A_281 = tpu.vector_load_idx %arg6[%parallel_loop3A_280] : memref<65536xf32, #tpu.memory_space<vmem>>[vector<16xi32>], vector<16xf32>,
        %parallel_loop3A_282 = arith.constant 448 : i32
        %parallel_loop3A_283 = arith.addi %parallel_loop3A_24, %parallel_loop3A_282 : i32
        %parallel_loop3A_284 = arith.index_cast %parallel_loop3A_283 : i32 to index
        %parallel_loop3A_285 = tpu.vector_load %arg7[%parallel_loop3A_284] {strides = array<i32>} : memref<36864xf32, #tpu.memory_space<vmem>>, vector<16xf32>,
        tpu.vector_store %arg7[%parallel_loop3A_284], %parallel_loop3A_281 {strides = array<i32>} : memref<36864xf32, #tpu.memory_space<vmem>>, vector<16xf32>,
        %parallel_loop3A_286 = arith.constant 464 : index
        %parallel_loop3A_287 = tpu.vector_load %arg5[%parallel_loop3A_286] {strides = array<i32>} : memref<576xi32, #tpu.memory_space<vmem>>, vector<16xi32>,
        %parallel_loop3A_288 = vector.broadcast %parallel_loop3A_22 : i32 to vector<16xi32>
        %parallel_loop3A_289 = arith.addi %parallel_loop3A_287, %parallel_loop3A_288 : vector<16xi32>
        %parallel_loop3A_290 = tpu.vector_load_idx %arg6[%parallel_loop3A_289] : memref<65536xf32, #tpu.memory_space<vmem>>[vector<16xi32>], vector<16xf32>,
        %parallel_loop3A_291 = arith.constant 464 : i32
        %parallel_loop3A_292 = arith.addi %parallel_loop3A_24, %parallel_loop3A_291 : i32
        %parallel_loop3A_293 = arith.index_cast %parallel_loop3A_292 : i32 to index
        %parallel_loop3A_294 = tpu.vector_load %arg7[%parallel_loop3A_293] {strides = array<i32>} : memref<36864xf32, #tpu.memory_space<vmem>>, vector<16xf32>,
        tpu.vector_store %arg7[%parallel_loop3A_293], %parallel_loop3A_290 {strides = array<i32>} : memref<36864xf32, #tpu.memory_space<vmem>>, vector<16xf32>,
        %parallel_loop3A_295 = arith.constant 480 : index
        %parallel_loop3A_296 = tpu.vector_load %arg5[%parallel_loop3A_295] {strides = array<i32>} : memref<576xi32, #tpu.memory_space<vmem>>, vector<16xi32>,
        %parallel_loop3A_297 = vector.broadcast %parallel_loop3A_22 : i32 to vector<16xi32>
        %parallel_loop3A_298 = arith.addi %parallel_loop3A_296, %parallel_loop3A_297 : vector<16xi32>
        %parallel_loop3A_299 = tpu.vector_load_idx %arg6[%parallel_loop3A_298] : memref<65536xf32, #tpu.memory_space<vmem>>[vector<16xi32>], vector<16xf32>,
        %parallel_loop3A_300 = arith.constant 480 : i32
        %parallel_loop3A_301 = arith.addi %parallel_loop3A_24, %parallel_loop3A_300 : i32
        %parallel_loop3A_302 = arith.index_cast %parallel_loop3A_301 : i32 to index
        %parallel_loop3A_303 = tpu.vector_load %arg7[%parallel_loop3A_302] {strides = array<i32>} : memref<36864xf32, #tpu.memory_space<vmem>>, vector<16xf32>,
        tpu.vector_store %arg7[%parallel_loop3A_302], %parallel_loop3A_299 {strides = array<i32>} : memref<36864xf32, #tpu.memory_space<vmem>>, vector<16xf32>,
        %parallel_loop3A_304 = arith.constant 496 : index
        %parallel_loop3A_305 = tpu.vector_load %arg5[%parallel_loop3A_304] {strides = array<i32>} : memref<576xi32, #tpu.memory_space<vmem>>, vector<16xi32>,
        %parallel_loop3A_306 = vector.broadcast %parallel_loop3A_22 : i32 to vector<16xi32>
        %parallel_loop3A_307 = arith.addi %parallel_loop3A_305, %parallel_loop3A_306 : vector<16xi32>
        %parallel_loop3A_308 = tpu.vector_load_idx %arg6[%parallel_loop3A_307] : memref<65536xf32, #tpu.memory_space<vmem>>[vector<16xi32>], vector<16xf32>,
        %parallel_loop3A_309 = arith.constant 496 : i32
        %parallel_loop3A_310 = arith.addi %parallel_loop3A_24, %parallel_loop3A_309 : i32
        %parallel_loop3A_311 = arith.index_cast %parallel_loop3A_310 : i32 to index
        %parallel_loop3A_312 = tpu.vector_load %arg7[%parallel_loop3A_311] {strides = array<i32>} : memref<36864xf32, #tpu.memory_space<vmem>>, vector<16xf32>,
        tpu.vector_store %arg7[%parallel_loop3A_311], %parallel_loop3A_308 {strides = array<i32>} : memref<36864xf32, #tpu.memory_space<vmem>>, vector<16xf32>,
        %parallel_loop3A_313 = arith.constant 512 : index
        %parallel_loop3A_314 = tpu.vector_load %arg5[%parallel_loop3A_313] {strides = array<i32>} : memref<576xi32, #tpu.memory_space<vmem>>, vector<16xi32>,
        %parallel_loop3A_315 = vector.broadcast %parallel_loop3A_22 : i32 to vector<16xi32>
        %parallel_loop3A_316 = arith.addi %parallel_loop3A_314, %parallel_loop3A_315 : vector<16xi32>
        %parallel_loop3A_317 = tpu.vector_load_idx %arg6[%parallel_loop3A_316] : memref<65536xf32, #tpu.memory_space<vmem>>[vector<16xi32>], vector<16xf32>,
        %parallel_loop3A_318 = arith.constant 512 : i32
        %parallel_loop3A_319 = arith.addi %parallel_loop3A_24, %parallel_loop3A_318 : i32
        %parallel_loop3A_320 = arith.index_cast %parallel_loop3A_319 : i32 to index
        %parallel_loop3A_321 = tpu.vector_load %arg7[%parallel_loop3A_320] {strides = array<i32>} : memref<36864xf32, #tpu.memory_space<vmem>>, vector<16xf32>,
        tpu.vector_store %arg7[%parallel_loop3A_320], %parallel_loop3A_317 {strides = array<i32>} : memref<36864xf32, #tpu.memory_space<vmem>>, vector<16xf32>,
        %parallel_loop3A_322 = arith.constant 528 : index
        %parallel_loop3A_323 = tpu.vector_load %arg5[%parallel_loop3A_322] {strides = array<i32>} : memref<576xi32, #tpu.memory_space<vmem>>, vector<16xi32>,
        %parallel_loop3A_324 = vector.broadcast %parallel_loop3A_22 : i32 to vector<16xi32>
        %parallel_loop3A_325 = arith.addi %parallel_loop3A_323, %parallel_loop3A_324 : vector<16xi32>
        %parallel_loop3A_326 = tpu.vector_load_idx %arg6[%parallel_loop3A_325] : memref<65536xf32, #tpu.memory_space<vmem>>[vector<16xi32>], vector<16xf32>,
        %parallel_loop3A_327 = arith.constant 528 : i32
        %parallel_loop3A_328 = arith.addi %parallel_loop3A_24, %parallel_loop3A_327 : i32
        %parallel_loop3A_329 = arith.index_cast %parallel_loop3A_328 : i32 to index
        %parallel_loop3A_330 = tpu.vector_load %arg7[%parallel_loop3A_329] {strides = array<i32>} : memref<36864xf32, #tpu.memory_space<vmem>>, vector<16xf32>,
        tpu.vector_store %arg7[%parallel_loop3A_329], %parallel_loop3A_326 {strides = array<i32>} : memref<36864xf32, #tpu.memory_space<vmem>>, vector<16xf32>,
        %parallel_loop3A_331 = arith.constant 544 : index
        %parallel_loop3A_332 = tpu.vector_load %arg5[%parallel_loop3A_331] {strides = array<i32>} : memref<576xi32, #tpu.memory_space<vmem>>, vector<16xi32>,
        %parallel_loop3A_333 = vector.broadcast %parallel_loop3A_22 : i32 to vector<16xi32>
        %parallel_loop3A_334 = arith.addi %parallel_loop3A_332, %parallel_loop3A_333 : vector<16xi32>
        %parallel_loop3A_335 = tpu.vector_load_idx %arg6[%parallel_loop3A_334] : memref<65536xf32, #tpu.memory_space<vmem>>[vector<16xi32>], vector<16xf32>,
        %parallel_loop3A_336 = arith.constant 544 : i32
        %parallel_loop3A_337 = arith.addi %parallel_loop3A_24, %parallel_loop3A_336 : i32
        %parallel_loop3A_338 = arith.index_cast %parallel_loop3A_337 : i32 to index
        %parallel_loop3A_339 = tpu.vector_load %arg7[%parallel_loop3A_338] {strides = array<i32>} : memref<36864xf32, #tpu.memory_space<vmem>>, vector<16xf32>,
        tpu.vector_store %arg7[%parallel_loop3A_338], %parallel_loop3A_335 {strides = array<i32>} : memref<36864xf32, #tpu.memory_space<vmem>>, vector<16xf32>,
        %parallel_loop3A_340 = arith.constant 560 : index
        %parallel_loop3A_341 = tpu.vector_load %arg5[%parallel_loop3A_340] {strides = array<i32>} : memref<576xi32, #tpu.memory_space<vmem>>, vector<16xi32>,
        %parallel_loop3A_342 = vector.broadcast %parallel_loop3A_22 : i32 to vector<16xi32>
        %parallel_loop3A_343 = arith.addi %parallel_loop3A_341, %parallel_loop3A_342 : vector<16xi32>
        %parallel_loop3A_344 = tpu.vector_load_idx %arg6[%parallel_loop3A_343] : memref<65536xf32, #tpu.memory_space<vmem>>[vector<16xi32>], vector<16xf32>,
        %parallel_loop3A_345 = arith.constant 560 : i32
        %parallel_loop3A_346 = arith.addi %parallel_loop3A_24, %parallel_loop3A_345 : i32
        %parallel_loop3A_347 = arith.index_cast %parallel_loop3A_346 : i32 to index
        %parallel_loop3A_348 = tpu.vector_load %arg7[%parallel_loop3A_347] {strides = array<i32>} : memref<36864xf32, #tpu.memory_space<vmem>>, vector<16xf32>,
        tpu.vector_store %arg7[%parallel_loop3A_347], %parallel_loop3A_344 {strides = array<i32>} : memref<36864xf32, #tpu.memory_space<vmem>>, vector<16xf32>,
      } {sc.loop_unroll_factor = 4 : i64, sc.parallel_access}
      %mul3A_15 = arith.constant 147456 : i32
      %mul3A_16 = arith.muli %arg1, %mul3A_15 : i32
      %mul3A_17 = arith.constant 576 : i32
      %mul3A_18 = arith.muli %add3A, %mul3A_17 : i32
      %add3A_19 = arith.addi %mul3A_16, %mul3A_18 : i32
      "tpu.region"() ({
        %run_scoped3A = tpu.sem_alloc : memref<!tpu.dma_semaphore, #tpu.memory_space<semaphore_mem>>
        %dma_start3A = tpu.memref_slice %arg4[%add3A_19] : memref<2359296xf32, #tpu.memory_space<hbm>> -> memref<36864xf32, #tpu.memory_space<hbm>>
        %dma_start3A_20 = tpu.memref_slice %arg4[%add3A_19] : memref<2359296xf32, #tpu.memory_space<hbm>> -> memref<36864xf32, #tpu.memory_space<hbm>>
        tpu.enqueue_dma source(%arg7 : memref<36864xf32, #tpu.memory_space<vmem>>) target(%dma_start3A_20 : memref<36864xf32, #tpu.memory_space<hbm>>) target_semaphore(%run_scoped3A : memref<!tpu.dma_semaphore, #tpu.memory_space<semaphore_mem>>)
        %dma_wait3A = tpu.memref_slice %arg4[%add3A_19] : memref<2359296xf32, #tpu.memory_space<hbm>> -> memref<36864xf32, #tpu.memory_space<hbm>>
        %dma_wait3A_21 = tpu.memref_slice %arg4[%add3A_19] : memref<2359296xf32, #tpu.memory_space<hbm>> -> memref<36864xf32, #tpu.memory_space<hbm>>
        tpu.wait_dma2 semaphore(%run_scoped3A : memref<!tpu.dma_semaphore, #tpu.memory_space<semaphore_mem>>) src(%arg7 : memref<36864xf32, #tpu.memory_space<vmem>>) dst(%dma_wait3A_21 : memref<36864xf32, #tpu.memory_space<hbm>>)
        tpu.yield
      }) : () -> ()
    }
    %scan3A_5 = arith.constant 2 : i32
    return
  }
}

module attributes {stable_mosaic.version = 14 : i64} {
  func.func @_tc_body(%arg0: i32, %arg1: memref<1x256x576xf32, #tpu.memory_space<vmem>>, %arg2: memref<1024x256xf32, #tpu.memory_space<vmem>>, %arg3: memref<1024x1xf32, #tpu.memory_space<vmem>>, %arg4: memref<576x1xf32, #tpu.memory_space<vmem>>, %arg5: memref<1x1x576xi32, #tpu.memory_space<vmem>>, %arg6: memref<1x1xf32, #tpu.memory_space<vmem>>, %arg7: memref<1x1xf32, #tpu.memory_space<vmem>>, %arg8: memref<1024x1xf32, #tpu.memory_space<vmem>>, %arg9: memref<1x1xf32, #tpu.memory_space<vmem>>) attributes {dimension_semantics = [#tpu.dimension_semantics<arbitrary>], iteration_bounds = array<i64: 16>, scalar_prefetch = 0 : i64, scratch_operands = 2 : i64, tpu.core_type = #tpu.core_type<tc>, window_params = [{transform_indices = @transform_0, window_bounds = array<i64: 1, 256, 576>}, {pipeline_mode = #tpu.pipeline_mode<synchronous>, transform_indices = @transform_1, window_bounds = array<i64: 1024, 256>}, {pipeline_mode = #tpu.pipeline_mode<synchronous>, transform_indices = @transform_2, window_bounds = array<i64: 1024, 1>}, {pipeline_mode = #tpu.pipeline_mode<synchronous>, transform_indices = @transform_3, window_bounds = array<i64: 576, 1>}, {transform_indices = @transform_4, window_bounds = array<i64: 1, 1, 576>}, {pipeline_mode = #tpu.pipeline_mode<synchronous>, transform_indices = @transform_5, window_bounds = array<i64: 1, 1>}, {pipeline_mode = #tpu.pipeline_mode<synchronous>, transform_indices = @transform_6, window_bounds = array<i64: 1, 1>}]} {
    %get3A = arith.constant 0 : index
    %get3A_0 = arith.constant 0 : index
    %get3A_1 = vector.load %arg2[%get3A, %get3A_0] : memref<1024x256xf32, #tpu.memory_space<vmem>>, vector<1024x256xf32>
    %get3A_2 = arith.constant 0 : index
    %get3A_3 = arith.constant 0 : index
    %get3A_4 = arith.constant 0 : index
    %get3A_5 = vector.load %arg1[%get3A_2, %get3A_3, %get3A_4] : memref<1x256x576xf32, #tpu.memory_space<vmem>>, vector<1x256x576xf32>
    %get3A_6 = vector.shape_cast %get3A_5 : vector<1x256x576xf32> to vector<256x576xf32>
    %mul3A = arith.mulf %get3A_6, %get3A_6 : vector<256x576xf32>
    %reduce_sum3A = arith.constant dense<0.000000e+00> : vector<576xf32>
    %reduce_sum3A_7 = vector.multi_reduction <add>, %mul3A, %reduce_sum3A [0] : vector<256x576xf32> to vector<576xf32>
    %broadcast_in_dim3A = vector.shape_cast %reduce_sum3A_7 : vector<576xf32> to vector<1x576xf32>
    %dot_general3A = arith.constant dense<0.000000e+00> : vector<1024x576xf32>
    %dot_general3A_8 = tpu.matmul %get3A_1, %get3A_6, %dot_general3A {dimension_numbers = #tpu.dot_dimension_numbers<[1], [0], [0], [1], [0, 0, 1, 1], [], []>, transpose_lhs_hint = false} : vector<1024x256xf32>, vector<256x576xf32>, vector<1024x576xf32> -> vector<1024x576xf32>
    %neg3A = arith.constant 0.000000e+00 : f32
    %neg3A_9 = vector.broadcast %neg3A : f32 to vector<1x576xf32>
    %neg3A_10 = arith.subf %neg3A_9, %broadcast_in_dim3A : vector<1x576xf32>
    %get3A_11 = arith.constant 0 : index
    %get3A_12 = arith.constant 0 : index
    %get3A_13 = vector.load %arg3[%get3A_11, %get3A_12] : memref<1024x1xf32, #tpu.memory_space<vmem>>, vector<1024x1xf32>
    %sub3A = vector.broadcast %neg3A_10 : vector<1x576xf32> to vector<1024x576xf32>
    %sub3A_14 = vector.broadcast %get3A_13 : vector<1024x1xf32> to vector<1024x576xf32>
    %sub3A_15 = arith.subf %sub3A, %sub3A_14 : vector<1024x576xf32>
    %add3A = arith.addf %sub3A_15, %dot_general3A_8 : vector<1024x576xf32>
    %reduce_max3A = arith.constant dense<0xFF800000> : vector<576xf32>
    %reduce_max3A_16 = vector.multi_reduction <maximumf>, %add3A, %reduce_max3A [0] : vector<1024x576xf32> to vector<576xf32>
    %broadcast_in_dim3A_17 = vector.shape_cast %reduce_max3A_16 : vector<576xf32> to vector<1x576xf32>
    %iota3A = tpu.iota {dimensions = array<i32: 0>} : vector<1024x576xi32>
    %eq3A = vector.broadcast %broadcast_in_dim3A_17 : vector<1x576xf32> to vector<1024x576xf32>
    %eq3A_18 = arith.cmpf oeq, %add3A, %eq3A : vector<1024x576xf32>
    %jit3A = arith.constant -1 : i32
    %broadcast_in_dim3A_19 = vector.broadcast %jit3A : i32 to vector<1024x576xi32>
    %select_n3A = arith.select %eq3A_18, %iota3A, %broadcast_in_dim3A_19 : vector<1024x576xi1>, vector<1024x576xi32>
    %reduce_max3A_20 = arith.constant dense<-2147483648> : vector<576xi32>
    %reduce_max3A_21 = vector.multi_reduction <maxsi>, %select_n3A, %reduce_max3A_20 [0] : vector<1024x576xi32> to vector<576xi32>
    %swap3A = arith.constant 0 : index
    %swap3A_22 = arith.constant 0 : index
    %swap3A_23 = arith.constant 0 : index
    %swap3A_24 = vector.load %arg5[%swap3A, %swap3A_22, %swap3A_23] : memref<1x1x576xi32, #tpu.memory_space<vmem>>, vector<1x1x576xi32>
    %swap3A_25 = vector.shape_cast %swap3A_24 : vector<1x1x576xi32> to vector<576xi32>
    %swap3A_26 = vector.shape_cast %reduce_max3A_21 : vector<576xi32> to vector<1x1x576xi32>
    tpu.vector_store %arg5[%swap3A, %swap3A_22, %swap3A_23], %swap3A_26 {strides = array<i32>} : memref<1x1x576xi32, #tpu.memory_space<vmem>>, vector<1x1x576xi32>,
    %broadcast_in_dim3A_27 = vector.shape_cast %reduce_max3A_21 : vector<576xi32> to vector<1x576xi32>
    %eq3A_28 = vector.broadcast %broadcast_in_dim3A_27 : vector<1x576xi32> to vector<1024x576xi32>
    %eq3A_29 = arith.cmpi eq, %iota3A, %eq3A_28 : vector<1024x576xi32>
    %jit3A_30 = arith.constant 5.000000e-01 : f32
    %jit3A_31 = arith.constant 0.000000e+00 : f32
    %broadcast_in_dim3A_32 = vector.broadcast %jit3A_30 : f32 to vector<1024x576xf32>
    %broadcast_in_dim3A_33 = vector.broadcast %jit3A_31 : f32 to vector<1024x576xf32>
    %select_n3A_34 = arith.select %eq3A_29, %broadcast_in_dim3A_32, %broadcast_in_dim3A_33 : vector<1024x576xi1>, vector<1024x576xf32>
    %get3A_35 = arith.constant 0 : index
    %get3A_36 = arith.constant 0 : index
    %get3A_37 = vector.load %arg4[%get3A_35, %get3A_36] : memref<576x1xf32, #tpu.memory_space<vmem>>, vector<576x1xf32>
    %dot_general3A_38 = arith.constant dense<0.000000e+00> : vector<1024x1xf32>
    %dot_general3A_39 = tpu.matmul %select_n3A_34, %get3A_37, %dot_general3A_38 {dimension_numbers = #tpu.dot_dimension_numbers<[1], [0], [0], [1], [0, 0, 1, 1], [], []>, transpose_lhs_hint = false} : vector<1024x576xf32>, vector<576x1xf32>, vector<1024x1xf32> -> vector<1024x1xf32>
    %reduce_sum3A_40 = arith.constant dense<0.000000e+00> : vector<1xf32>
    %reduce_sum3A_41 = vector.multi_reduction <add>, %broadcast_in_dim3A_17, %reduce_sum3A_40 [1] : vector<1x576xf32> to vector<1xf32>
    %broadcast_in_dim3A_42 = vector.shape_cast %reduce_sum3A_41 : vector<1xf32> to vector<1x1xf32>
    %eq3A_43 = arith.constant 0 : i32
    %eq3A_44 = arith.cmpi eq, %arg0, %eq3A_43 : i32
    %convert_element_type3A = arith.extui %eq3A_44 : i1 to i32
    %cond3A = arith.constant 0 : i32
    %cond3A_45 = arith.cmpi ne, %convert_element_type3A, %cond3A : i32
    scf.if %cond3A_45 {
      %swap3A_55 = arith.constant 0 : index
      %swap3A_56 = arith.constant 0 : index
      %swap3A_57 = vector.load %arg8[%swap3A_55, %swap3A_56] : memref<1024x1xf32, #tpu.memory_space<vmem>>, vector<1024x1xf32>
      tpu.vector_store %arg8[%swap3A_55, %swap3A_56], %dot_general3A_39 {strides = array<i32>} : memref<1024x1xf32, #tpu.memory_space<vmem>>, vector<1024x1xf32>,
      %swap3A_58 = arith.constant 0 : index
      %swap3A_59 = arith.constant 0 : index
      %swap3A_60 = vector.load %arg9[%swap3A_58, %swap3A_59] : memref<1x1xf32, #tpu.memory_space<vmem>>, vector<1x1xf32>
      tpu.vector_store %arg9[%swap3A_58, %swap3A_59], %broadcast_in_dim3A_42 {strides = array<i32>} : memref<1x1xf32, #tpu.memory_space<vmem>>, vector<1x1xf32>,
    } else {
    }
    %gt3A = arith.constant 0 : i32
    %gt3A_46 = arith.cmpi sgt, %arg0, %gt3A : i32
    %convert_element_type3A_47 = arith.extui %gt3A_46 : i1 to i32
    %cond3A_48 = arith.constant 0 : i32
    %cond3A_49 = arith.cmpi ne, %convert_element_type3A_47, %cond3A_48 : i32
    scf.if %cond3A_49 {
      %get3A_55 = arith.constant 0 : index
      %get3A_56 = arith.constant 0 : index
      %get3A_57 = vector.load %arg8[%get3A_55, %get3A_56] : memref<1024x1xf32, #tpu.memory_space<vmem>>, vector<1024x1xf32>
      %add3A_58 = arith.addf %get3A_57, %dot_general3A_39 : vector<1024x1xf32>
      %swap3A_59 = arith.constant 0 : index
      %swap3A_60 = arith.constant 0 : index
      %swap3A_61 = vector.load %arg8[%swap3A_59, %swap3A_60] : memref<1024x1xf32, #tpu.memory_space<vmem>>, vector<1024x1xf32>
      tpu.vector_store %arg8[%swap3A_59, %swap3A_60], %add3A_58 {strides = array<i32>} : memref<1024x1xf32, #tpu.memory_space<vmem>>, vector<1024x1xf32>,
      %get3A_62 = arith.constant 0 : index
      %get3A_63 = arith.constant 0 : index
      %get3A_64 = vector.load %arg9[%get3A_62, %get3A_63] : memref<1x1xf32, #tpu.memory_space<vmem>>, vector<1x1xf32>
      %add3A_65 = arith.addf %get3A_64, %broadcast_in_dim3A_42 : vector<1x1xf32>
      %swap3A_66 = arith.constant 0 : index
      %swap3A_67 = arith.constant 0 : index
      %swap3A_68 = vector.load %arg9[%swap3A_66, %swap3A_67] : memref<1x1xf32, #tpu.memory_space<vmem>>, vector<1x1xf32>
      tpu.vector_store %arg9[%swap3A_66, %swap3A_67], %add3A_65 {strides = array<i32>} : memref<1x1xf32, #tpu.memory_space<vmem>>, vector<1x1xf32>,
    } else {
    }
    %eq3A_50 = arith.constant 15 : i32
    %eq3A_51 = arith.cmpi eq, %arg0, %eq3A_50 : i32
    %convert_element_type3A_52 = arith.extui %eq3A_51 : i1 to i32
    %cond3A_53 = arith.constant 0 : i32
    %cond3A_54 = arith.cmpi ne, %convert_element_type3A_52, %cond3A_53 : i32
    scf.if %cond3A_54 {
      %get3A_55 = arith.constant 0 : index
      %get3A_56 = arith.constant 0 : index
      %get3A_57 = vector.load %arg9[%get3A_55, %get3A_56] : memref<1x1xf32, #tpu.memory_space<vmem>>, vector<1x1xf32>
      %mul3A_58 = arith.constant -5.2981909E-7 : f32
      %mul3A_59 = vector.broadcast %mul3A_58 : f32 to vector<1x1xf32>
      %mul3A_60 = arith.mulf %mul3A_59, %get3A_57 : vector<1x1xf32>
      %swap3A_61 = arith.constant 0 : index
      %swap3A_62 = arith.constant 0 : index
      %swap3A_63 = vector.load %arg6[%swap3A_61, %swap3A_62] : memref<1x1xf32, #tpu.memory_space<vmem>>, vector<1x1xf32>
      tpu.vector_store %arg6[%swap3A_61, %swap3A_62], %mul3A_60 {strides = array<i32>} : memref<1x1xf32, #tpu.memory_space<vmem>>, vector<1x1xf32>,
      %get3A_64 = arith.constant 0 : index
      %get3A_65 = arith.constant 0 : index
      %get3A_66 = vector.load %arg8[%get3A_64, %get3A_65] : memref<1024x1xf32, #tpu.memory_space<vmem>>, vector<1024x1xf32>
      %mul3A_67 = arith.constant 2.17013891E-4 : f32
      %mul3A_68 = vector.broadcast %mul3A_67 : f32 to vector<1024x1xf32>
      %mul3A_69 = arith.mulf %get3A_66, %mul3A_68 : vector<1024x1xf32>
      %add3A_70 = arith.constant 1.000000e-10 : f32
      %add3A_71 = vector.broadcast %add3A_70 : f32 to vector<1024x1xf32>
      %add3A_72 = arith.addf %mul3A_69, %add3A_71 : vector<1024x1xf32>
      %log3A = math.log %add3A_72 : vector<1024x1xf32>
      %mul3A_73 = arith.mulf %mul3A_69, %log3A : vector<1024x1xf32>
      %reduce_sum3A_74 = arith.constant dense<0.000000e+00> : vector<1xf32>
      %reduce_sum3A_75 = vector.multi_reduction <add>, %mul3A_73, %reduce_sum3A_74 [0] : vector<1024x1xf32> to vector<1xf32>
      %broadcast_in_dim3A_76 = vector.shape_cast %reduce_sum3A_75 : vector<1xf32> to vector<1x1xf32>
      %neg3A_77 = arith.constant 0.000000e+00 : f32
      %neg3A_78 = vector.broadcast %neg3A_77 : f32 to vector<1x1xf32>
      %neg3A_79 = arith.subf %neg3A_78, %broadcast_in_dim3A_76 : vector<1x1xf32>
      %exp3A = math.exp %neg3A_79 : vector<1x1xf32>
      %swap3A_80 = arith.constant 0 : index
      %swap3A_81 = arith.constant 0 : index
      %swap3A_82 = vector.load %arg7[%swap3A_80, %swap3A_81] : memref<1x1xf32, #tpu.memory_space<vmem>>, vector<1x1xf32>
      tpu.vector_store %arg7[%swap3A_80, %swap3A_81], %exp3A {strides = array<i32>} : memref<1x1xf32, #tpu.memory_space<vmem>>, vector<1x1xf32>,
    } else {
    }
    return
  }
  func.func @transform_0(%arg0: i32) -> (i32, i32, i32) {
    %c0_i32 = arith.constant 0 : i32
    %c0_i32_0 = arith.constant 0 : i32
    %c0_i32_1 = arith.constant 0 : i32
    return %arg0, %c0_i32, %c0_i32_0 : i32, i32, i32
  }
  func.func @transform_1(%arg0: i32) -> (i32, i32) {
    %c0_i32 = arith.constant 0 : i32
    %c0_i32_0 = arith.constant 0 : i32
    %c0_i32_1 = arith.constant 0 : i32
    return %c0_i32, %c0_i32_0 : i32, i32
  }
  func.func @transform_2(%arg0: i32) -> (i32, i32) {
    %c0_i32 = arith.constant 0 : i32
    %c0_i32_0 = arith.constant 0 : i32
    %c0_i32_1 = arith.constant 0 : i32
    return %c0_i32, %c0_i32_0 : i32, i32
  }
  func.func @transform_3(%arg0: i32) -> (i32, i32) {
    %c0_i32 = arith.constant 0 : i32
    %c0_i32_0 = arith.constant 0 : i32
    %c0_i32_1 = arith.constant 0 : i32
    return %c0_i32, %c0_i32_0 : i32, i32
  }
  func.func @transform_4(%arg0: i32) -> (i32, i32, i32) {
    %c0_i32 = arith.constant 0 : i32
    %c0_i32_0 = arith.constant 0 : i32
    %c0_i32_1 = arith.constant 0 : i32
    return %arg0, %c0_i32, %c0_i32_0 : i32, i32, i32
  }
  func.func @transform_5(%arg0: i32) -> (i32, i32) {
    %c0_i32 = arith.constant 0 : i32
    %c0_i32_0 = arith.constant 0 : i32
    %c0_i32_1 = arith.constant 0 : i32
    return %c0_i32, %c0_i32_0 : i32, i32
  }
  func.func @transform_6(%arg0: i32) -> (i32, i32) {
    %c0_i32 = arith.constant 0 : i32
    %c0_i32_0 = arith.constant 0 : i32
    %c0_i32_1 = arith.constant 0 : i32
    return %c0_i32, %c0_i32_0 : i32, i32
  }
}

</mosaic_0001>

<sc_bundles>
// kernel: kernel.4.cloned.1.call-start
scs
__scs_entry_jumppad:
0x0: {  	(pc) =	sbr.rel $0x88, $3  }
0x1: {  	(tag) =	ssettag $0x0;
	lr =	simm.s32 $0x1  }
0x2: {  	[smem:$0x3F9F] =	sst lr;
	_ =	strace $0xD0000000  }
0x3: {  	_ = 	snop  }
0x4: {  	_ = 	snop  }
0x5: {  	_ = 	snop  }
0x6: {  	_ = 	snop  }
0x7: {  	_ = 	snop  }
__scs_overlays_trampoline_lowered:
0x8: {  	[smem:$0x3FAE] =	sst s0  }
0x9: {  	[smem:$0x3FAF] =	sst s1  }
0xa: {  	[smem:$0x3FB0] =	sst s2  }
0xb: {  	[smem:$0x3FB1] =	sst s3  }
0xc: {  	[smem:$0x3FB2] =	sst s4  }
0xd: {  	[smem:$0x3FB3] =	sst s5  }
0xe: {  	[smem:$0x3FB4] =	sst s6  }
0xf: {  	[smem:$0x3FB5] =	sst s7  }
0x10: {  	[smem:$0x3FB6] =	sst s8  }
0x11: {  	[smem:$0x3FB7] =	sst s9;
	s0 =	simm.s32 @!p0 $0x0  }
0x12: {  	s1 =	sld [smem:$0x3F9D];
	s0 =	simm.s32 @p0 $0x1  }
0x13: {  	[smem:$0x3FB8] =	sst s0;
	s0 =	simm.s32 @!p1 $0x0  }
0x14: {  	s2 =	sld [smem:$0x3F9C];
	s0 =	simm.s32 @p1 $0x1  }
0x15: {  	[smem:$0x3FB9] =	sst s0;
	s0 =	simm.s32 @!p2 $0x0  }
0x16: {  	s3 =	sld [smem:$0x3FDB];
	s0 =	simm.s32 @p2 $0x1  }
0x17: {  	s4 =	simm.s32 $0x1BF5;
	[smem:$0x3FBB] =	sst s0  }
0x18: {  	s0 =	sld [smem:$0x3F9E];
	_ =	swait.ge [sflag:s4], $0x0  }
0x19: {  	s7 =	sld [smem:$0x3F9F]  }
0x1a: {  	s8 =	sadd.s32 $0xFFFFE003, lr  }
0x1b: {  	s9 =	sadd.s32 $0xFFFFFEF7, lr;
	s5 =	simm.s32 $0xFFFFFFFF;
	p2 =	slt.u32 s8, $0xFFFFF086  }
0x1c: {  	p1 =	slt.u32 s9, $0xF7A;
	s5 =	simm.s32 @!p2 $0x0  }
0x1d: {  	s5 =	simm.s32 @p1 $0x1;
	p0 =	seq.s32 s7, s2  }
0x1e: {  	s7 =	smul.u32 @!p0 $0xF7A, s2;
	p2 =	seq.s32 @!p0 s5, $0x0  }
0x1f: {  	s9 =	smul.u32 $0xF7A, s1;
	s8 =	simm.s32 @!p0 $0x1BF5;
	p2 =	por !p2, p0  }
0x20: {  	[sflag:s8] =	ssyncset.s32 @!p0 $0xFFFFF086;
	s6 =	sadd.s32 @!p0 s3, s7;
	s7 =	simm.s32 @!p0 $0x108  }
0x21: {  	s3 =	sadd.s32 s3, s9;
	s6 =	sadd.s32 @!p0 $0x88, s6;
	s7 =	simm.s32 @p2 $0x1082  }
0x22: {  	[simem:s7], [sflag:s8] =	dma.local @!p0 [hbm:s6], $0xF7A  }
0x23: {  	s9 =	sor.u32 $0xD0000000, s2;
	s6 =	simm.s32 $0x108;
	_ =	swait.ge @!p0 [sflag:s8], $0x0  }
0x24: {  	s3 =	sadd.s32 $0x88, s3;
	s6 =	simm.s32 @!p1 $0x1082;
	[sflag:s4] =	ssyncset.s32 $0xFFFFF086  }
0x25: {  	[simem:s6], [sflag:s4] =	dma.local [hbm:s3], $0xF7A  }
0x26: {  	[smem:$0x3F9F] =	sst s1;
	(tag) =	ssettag s2;
	_ =	strace s9  }
0x27: {  	s1 =	sld [smem:$0x3FAF]  }
0x28: {  	s2 =	sld [smem:$0x3FB0]  }
0x29: {  	s4 =	sld [smem:$0x3FB2]  }
0x2a: {  	p0 =	seq.s32 s5, $0x0;
	s5 =	sld [smem:$0x3FB3]  }
0x2b: {  	s6 =	sld [smem:$0x3FB4]  }
0x2c: {  	s7 =	sld [smem:$0x3FB5]  }
0x2d: {  	s3 =	simm.s32 $0x108;
	s8 =	sld [smem:$0x3FB6]  }
0x2e: {  	s3 =	simm.s32 @!p0 $0x1082;
	s9 =	sld [smem:$0x3FB7]  }
0x2f: {  	lr =	sadd.s32 s0, s3;
	s0 =	sld [smem:$0x3FAE]  }
0x30: {  	s3 =	sld [smem:$0x3FB1]  }
0x31: {  	[smem:$0x3FBA] =	sst s10  }
0x32: {  	s10 =	sld [smem:$0x3FB8];
	_ =	sdelay $0x3  }
0x33: {  	p0 =	seq.s32 s10, $0x1;
	s10 =	sld [smem:$0x3FBA];
	_ =	sdelay $0x3  }
0x34: {  	[smem:$0x3FBA] =	sst s10  }
0x35: {  	s10 =	sld [smem:$0x3FB9];
	_ =	sdelay $0x3  }
0x36: {  	p1 =	seq.s32 s10, $0x1;
	s10 =	sld [smem:$0x3FBA];
	_ =	sdelay $0x3  }
0x37: {  	[smem:$0x3FBA] =	sst s10  }
0x38: {  	s10 =	sld [smem:$0x3FBB]  }
0x39: {  	_ = 	snop;
	(pc) =	sbr.ind lr, $3  }
0x3a: {  	_ = 	snop  }
0x3b: {  	_ = 	snop  }
0x3c: {  	p2 =	seq.s32 s10, $0x1;
	s10 =	sld [smem:$0x3FBA]  }
0x3d: {  	_ =	shalt  }
0x3e: {  	_ =	shalt  }
0x3f: {  	_ =	shalt  }
0x40: {  	_ =	shalt  }
0x41: {  	_ =	shalt  }
0x42: {  	_ =	shalt  }
0x43: {  	_ =	shalt  }
0x44: {  	_ =	shalt  }
0x45: {  	_ =	shalt  }
0x46: {  	_ =	shalt  }
0x47: {  	_ =	shalt  }
0x48: {  	_ =	shalt  }
0x49: {  	_ =	shalt  }
0x4a: {  	_ =	shalt  }
0x4b: {  	_ =	shalt  }
0x4c: {  	_ =	shalt  }
0x4d: {  	_ =	shalt  }
0x4e: {  	_ =	shalt  }
0x4f: {  	_ =	shalt  }
0x50: {  	_ =	shalt  }
0x51: {  	_ =	shalt  }
0x52: {  	_ =	shalt  }
0x53: {  	_ =	shalt  }
0x54: {  	_ =	shalt  }
0x55: {  	_ =	shalt  }
0x56: {  	_ =	shalt  }
0x57: {  	_ =	shalt  }
0x58: {  	_ =	shalt  }
0x59: {  	_ =	shalt  }
0x5a: {  	_ =	shalt  }
0x5b: {  	_ =	shalt  }
0x5c: {  	_ =	shalt  }
0x5d: {  	_ =	shalt  }
0x5e: {  	_ =	shalt  }
0x5f: {  	_ =	shalt  }
0x60: {  	_ =	shalt  }
0x61: {  	_ =	shalt  }
0x62: {  	_ =	shalt  }
0x63: {  	_ =	shalt  }
0x64: {  	_ =	shalt  }
0x65: {  	_ =	shalt  }
0x66: {  	_ =	shalt  }
0x67: {  	_ =	shalt  }
0x68: {  	_ =	shalt  }
0x69: {  	_ =	shalt  }
0x6a: {  	_ =	shalt  }
0x6b: {  	_ =	shalt  }
0x6c: {  	_ =	shalt  }
0x6d: {  	_ =	shalt  }
0x6e: {  	_ =	shalt  }
0x6f: {  	_ =	shalt  }
0x70: {  	_ =	shalt  }
0x71: {  	_ =	shalt  }
0x72: {  	_ =	shalt  }
0x73: {  	_ =	shalt  }
0x74: {  	_ =	shalt  }
0x75: {  	_ =	shalt  }
0x76: {  	_ =	shalt  }
0x77: {  	_ =	shalt  }
0x78: {  	_ =	shalt  }
0x79: {  	_ =	shalt  }
0x7a: {  	_ =	shalt  }
0x7b: {  	_ =	shalt  }
0x7c: {  	_ =	shalt  }
0x7d: {  	_ =	shalt  }
0x7e: {  	_ =	shalt  }
0x7f: {  	_ =	shalt  }
0x80: {  	_ =	shalt  }
0x81: {  	_ =	shalt  }
0x82: {  	_ =	shalt  }
0x83: {  	_ =	shalt  }
0x84: {  	_ =	shalt  }
0x85: {  	_ =	shalt  }
0x86: {  	_ =	shalt  }
0x87: {  	_ =	shalt  }
.Lfunc_end0:
.L_simem_size_0:
called_computation_lowered:
.L_overlay_start_0:
0x88: {  	s2 =	sld [smem:$0x3FD9]  }
0x89: {  	s3 =	sld [smem:$0x3FFE];
	_ =	sdelay $0x1  }
0x8a: {  	s1 =	srdreg.scid  }
0x8b: {  	s0 =	sand.u32 $0x1, s1  }
0x8c: {  	s14 =	sshll.u32 s0, $0xA;
	s2 =	sadd.s32 s3, s2  }
0x8d: {  	s2 =	sadd.s32 s2, s14  }
0x8e: {  	[smem:$0x3FC6] =	sst s2  }
0x8f: {  	_ = 	snop  }
0x90: {  	s2 =	sld [smem:$0x3FD0];
	_ =	sdelay $0x2  }
0x91: {  	s15 =	simm.s32 $0xA;
	s4 =	simm.s32 $0x10  }
0x92: {  	[smem:s4], [sflag:s15] =	dma.local [hbm:s2], $0x1  }
0x93: {  	_ =	swait.eq [sflag:s15], $0x1  }
0x94: {  	[sflag:s15] =	ssyncset.done $0x0  }
0x95: {  	[sflag:s15] =	ssyncadd.s32 $0xFFFFFFFF  }
0x96: {  	s16 =	sld [smem:$0x10];
	(tm) =	ssettm $0x1  }
0x97: {  	s17 =	sld [smem:$0x3FFB];
	_ =	sdelay $0x3  }
0x98: {  	_ =	strace s17  }
0x99: {  	s3 =	sld [smem:$0x3FFC];
	_ =	sdelay $0x3  }
0x9a: {  	_ =	strace s3  }
0x9b: {  	s3 =	sld [smem:$0x3FFD];
	_ =	sdelay $0x3  }
0x9c: {  	_ =	strace s3  }
0x9d: {  	_ =	strace $0x8FFFFFFF  }
0x9e: {  	s18 =	sld [smem:$0x3FDB];
	_ =	sdelay $0x1  }
0x9f: {  	s19 =	simm.s32 $_scs_section_size  }
0xa0: {  	s5 =	simm.s32 $_size__tile_overlayer_lowered;
	s6 =	simm.s32 $_tile_overlayer_lowered  }
0xa1: {  	s22 =	simm.s32 $0x1BFF;
	s21 =	sshll.u32 s6, $0x1;
	s3 =	sadd.s32 s19, s18  }
0xa2: {  	s7 =	simm.s32 $0x0;
	s20 =	sshll.u32 s5, $0x1;
	s5 =	sadd.s32 s21, s3  }
0xa3: {  	[timem:s7], [sflag:s22] =	dma.local [hbm:s5], s20  }
0xa4: {  	_ =	swait.ge [sflag:s22], s20  }
0xa5: {  	s4 =	ssub.s32 $0x0, s20;
	[sflag:s22] =	ssyncset.done $0x0  }
0xa6: {  	[sflag:s22] =	ssyncadd.s32 s4;
	_ =	sdelay $0x1  }
0xa7: {  	s23 =	simm.s32 $0x1B8B  }
0xa8: {  	_ =	swait.ge [sflag:s23], $0x1  }
0xa9: {  	[sflag:s23] =	ssyncset.done $0x0  }
0xaa: {  	s25 =	simm.s32 $0x1B8E;
	s24 =	sld [smem:$0x3FFE];
	[sflag:s23] =	ssyncadd.s32 $0xFFFFFFFF  }
0xab: {  	s26 =	simm.s32 $execute0_lowered;
	[smem:$0x3FD2] =	sst s25  }
0xac: {  	s5 =	sshll.u32 s26, $0x1;
	_ =	strace $0x80000046;
	[dreg:$0x1] =	wrdreg $0xFFFFFFFF  }
0xad: {  	s28 =	simm.s32 $_size_execute0_lowered;
	s3 =	sadd.s32 s3, s5;
	[dreg:$0x0] =	wrdreg $0x0  }
0xae: {  	s5 =	sshll.u32 s28, $0x1;
	[dreg:$0x2] =	wrdreg s3  }
0xaf: {  	[dreg:$0x3] =	wrdreg s5  }
0xb0: {  	[dreg:$0x4] =	wrdreg $0xC0  }
0xb1: {  	_ =	task [dreg:s7], $0x5FFFF  }
0xb2: {  	[dreg:$0x1] =	wrdreg $0xFFFFFFFF  }
0xb3: {  	[dreg:$0x0] =	wrdreg $0x60  }
0xb4: {  	[dreg:$0x2] =	wrdreg s24  }
0xb5: {  	[dreg:$0x3] =	wrdreg s16  }
0xb6: {  	[dreg:$0x4] =	wrdreg $0x9  }
0xb7: {  	_ =	task.clear_ibuf [dreg:s7], $0x5FFFF;
	_ =	strace $0x90000046  }
0xb8: {  	s29 =	simm.s32 $0x9;
	_ =	strace $0x80000048  }
0xb9: {  	_ =	swait.ge [sflag:s29], $0x1  }
0xba: {  	[sflag:s29] =	ssyncadd.s32 $0xFFFFFFFF  }
0xbb: {  	_ =	strace $0x90000048  }
0xbc: {  	_ =	sfence  }
0xbd: {  	s30 =	sld [smem:$0x0];
	_ =	sdelay $0x2  }
0xbe: {  	s31 =	sshll.u32 s1, $0xD;
	s1 =	sshrl.u32 s1, $0x2  }
0xbf: {  	s3 =	sand.u32 $0x4000, s31;
	s1 =	sadd.s32 s1, s30  }
0xc0: {  	s0 =	sor.u32 s3, s0;
	s1 =	sshll.u32 s1, $0x11  }
0xc1: {  	s0 =	sor.u32 s1, s0  }
0xc2: {  	s0 =	sadd.s32 $0x8F2B, s0  }
0xc3: {  	[sflag:s0] =	ssyncadd.remote.s32 $0x1  }
0xc4: {  	_ =	sfence.sel $0xFFFF  }
0xc5: {  	[dreg:$0x0] =	wrdreg $0xFFFFFFFF;
	(pc) =	sbr.abs _section_cstart, $3  }
0xc6: {  	[dreg:$0x1] =	wrdreg $0xFFFFFFFF  }
0xc7: {  	_ =	task.clear_ibuf [dreg:s7], $0x2FFFF;
	_ =	strace $0x9FFFFFFF  }
0xc8: {  	(tm) =	ssettm $0x7FFFFFFF  }
0xc9: {  	_ =	shalt  }
tec
execute0_lowered:
.L_overlay_start_1:
0x0: {  	(tag) =	ssettag $0x1  }
0x1: {  	s3 =	rddreg [dreg:$0x0];
	s4 =	stileid.u32  }
0x2: {  	s0 =	srdreg.scid;
	s5 =	simm.s32 $0x0;
	s1 =	smul.u32 $0x48, s4  }
0x3: {  	s0 =	sand.u32 $0x1, s0;
	[smem:$0x7FF] =	sst s5;
	s30 =	smul.u32 $0x24000, s4  }
0x4: {  	s2 =	ssub.s32 $0x2, s0;
	_ =	strace $0x80000047;
	s0 =	sshll.u32 s0, $0x7  }
0x5: {  	s1 =	sadd.s32 s1, s3;
	s29 =	sshrl.u32 s2, $0x1;
	[dreg:$0x4] =	wrdreg s0  }
0x6: {  	[dreg:$0x5] =	wrdreg s30;
	s2 =	ssub.s32 s2, s29;
	s1 =	sadd.s32 $0x8000, s1  }
0x7: {  	s9 =	simm.s32 $0x1;
	[dreg:$0x3] =	wrdreg s1;
	s31 =	smax.u32 s2, $0x1  }
0x8: {  	s10 =	simm.s32 $0x280;
	s1 =	simm.s32 $0x0;
	[dreg:$0x6] =	wrdreg s31  }
.LBB2_1:
0x9: {  	[dreg:$0x7] =	wrdreg s1  }
0xa: {  	s0 =	rddreg [dreg:$0x3]  }
0xb: {  	[tilespmem:s5], [sflag:$0x1] =	stream.linear.gather [hbm4b:s0+s5], $0x240, $0x38;
	[tilespmem:$0x19280] =	vst v63  }
0xc: {  	_ =	swait.ge [sflag:s9], $0x240  }
0xd: {  	[sflag:s9] =	ssyncset.done $0x0  }
0xe: {  	p0 =	por $0x1, $0x1;
	s0 =	simm.s32 $0x0;
	[sflag:s9] =	ssyncadd.s32 $0xFFFFFDC0  }
.LBB2_2:
0xf: {  	s1 =	rddreg [dreg:$0x4]  }
0x10: {  	s13 =	sor.u32 s1, s0  }
0x11: {  	s3 =	rddreg [dreg:$0x0];
	s0 =	sshll.u32 s13, $0x7  }
0x12: {  	s0 =	sadd.s32 s3, s0  }
0x13: {  	[tilespmem:s10], [sflag:$0x1] =	stream.linear.gather [hbm4b:s0+s5], $0x10000, $0x38;
	[tilespmem:$0x19280] =	vst v63  }
0x14: {  	_ =	swait.ge [sflag:s9], $0x10000  }
0x15: {  	[sflag:s9] =	ssyncset.done $0x0  }
0x16: {  	[sflag:s9] =	ssyncadd.s32 $0xFFFF0000  }
0x17: {  	v0 =	vld [tilespmem:$0x0];
	_ =	sdelay $0x2  }
0x18: {  	v1 =	vld [tilespmem:$0x0]  }
0x19: {  	s24 =	simm.s32 $0xC00  }
0x1a: {  	v0 =	vadd.s32 s24, v0;
	_ =	sdelay $0x1  }
0x1b: {  	s0 =	simm.s32 $0x0  }
0x1c: {  	s31 =	simm.s32 $0x400;
	v2 =	vadd.s32 s0, v1  }
0x1d: {  	s30 =	simm.s32 $0x800;
	v3 =	vadd.s32 s31, v1  }
0x1e: {  	v1 =	vadd.s32 s30, v1;
	v0 =	vld.idx.msk [tilespmem:v0+s10+$0x0], $0xffff;
	_ =	sdelay $0x2  }
0x1f: {  	v2 =	vld.idx.msk [tilespmem:v2+s10+$0x0], $0xffff  }
0x20: {  	s14 =	simm.s32 $0x10700;
	v3 =	vld.idx.msk [tilespmem:v3+s10+$0x0], $0xffff  }
0x21: {  	v1 =	vld.idx.msk [tilespmem:v1+s10+$0x0], $0xffff;
	[tilespmem:s14+$0x240] =	vst v0  }
0x22: {  	v0 =	vld [tilespmem:$0x10];
	_ =	sdelay $0x1  }
0x23: {  	[tilespmem:s14+$0xFFFFFB80] =	vst v2  }
0x24: {  	[tilespmem:s14+$0xFFFFFDC0] =	vst v3;
	v2 =	vld [tilespmem:$0x10]  }
0x25: {  	[tilespmem:s14+$0x0] =	vst v1;
	v3 =	vld [tilespmem:$0x10]  }
0x26: {  	v1 =	vld [tilespmem:$0x10];
	v0 =	vadd.s32 s24, v0;
	_ =	sdelay $0x2  }
0x27: {  	v2 =	vadd.s32 s0, v2  }
0x28: {  	v3 =	vadd.s32 s31, v3  }
0x29: {  	v1 =	vadd.s32 s30, v1;
	v0 =	vld.idx.msk [tilespmem:v0+s10+$0x0], $0xffff;
	_ =	sdelay $0x2  }
0x2a: {  	s2 =	simm.s32 $0x6C0;
	v2 =	vld.idx.msk [tilespmem:v2+s10+$0x0], $0xffff  }
0x2b: {  	s22 =	sor.u32 $0x50, s2;
	v3 =	vld.idx.msk [tilespmem:v3+s10+$0x0], $0xffff  }
0x2c: {  	v1 =	vld.idx.msk [tilespmem:v1+s10+$0x0], $0xffff;
	[tilespmem:s22+$0x10280] =	vst v0  }
0x2d: {  	v0 =	vld [tilespmem:$0x20]  }
0x2e: {  	s4 =	simm.s32 $0x240  }
0x2f: {  	s3 =	sor.u32 $0x50, s4;
	[tilespmem:s14+$0xFFFFFB90] =	vst v2  }
0x30: {  	[tilespmem:s3+$0x10280] =	vst v3;
	v2 =	vld [tilespmem:$0x20]  }
0x31: {  	[tilespmem:s14+$0x10] =	vst v1;
	v3 =	vld [tilespmem:$0x20]  }
0x32: {  	v1 =	vld [tilespmem:$0x20];
	v0 =	vadd.s32 s24, v0;
	_ =	sdelay $0x2  }
0x33: {  	v2 =	vadd.s32 s0, v2  }
0x34: {  	v3 =	vadd.s32 s31, v3  }
0x35: {  	v1 =	vadd.s32 s30, v1;
	v0 =	vld.idx.msk [tilespmem:v0+s10+$0x0], $0xffff;
	_ =	sdelay $0x2  }
0x36: {  	v2 =	vld.idx.msk [tilespmem:v2+s10+$0x0], $0xffff  }
0x37: {  	s21 =	sor.u32 $0x60, s2;
	v3 =	vld.idx.msk [tilespmem:v3+s10+$0x0], $0xffff  }
0x38: {  	v1 =	vld.idx.msk [tilespmem:v1+s10+$0x0], $0xffff;
	[tilespmem:s21+$0x10280] =	vst v0  }
0x39: {  	v0 =	vld [tilespmem:$0x30];
	_ =	sdelay $0x1  }
0x3a: {  	s5 =	sor.u32 $0x60, s4;
	[tilespmem:s14+$0xFFFFFBA0] =	vst v2  }
0x3b: {  	[tilespmem:s5+$0x10280] =	vst v3;
	v2 =	vld [tilespmem:$0x30]  }
0x3c: {  	[tilespmem:s14+$0x20] =	vst v1;
	v3 =	vld [tilespmem:$0x30]  }
0x3d: {  	v1 =	vld [tilespmem:$0x30];
	v0 =	vadd.s32 s24, v0;
	_ =	sdelay $0x2  }
0x3e: {  	v2 =	vadd.s32 s0, v2  }
0x3f: {  	v3 =	vadd.s32 s31, v3  }
0x40: {  	v1 =	vadd.s32 s30, v1;
	v0 =	vld.idx.msk [tilespmem:v0+s10+$0x0], $0xffff;
	_ =	sdelay $0x2  }
0x41: {  	v2 =	vld.idx.msk [tilespmem:v2+s10+$0x0], $0xffff  }
0x42: {  	s20 =	sor.u32 $0x70, s2;
	v3 =	vld.idx.msk [tilespmem:v3+s10+$0x0], $0xffff  }
0x43: {  	v1 =	vld.idx.msk [tilespmem:v1+s10+$0x0], $0xffff;
	[tilespmem:s20+$0x10280] =	vst v0  }
0x44: {  	v0 =	vld [tilespmem:$0x40];
	_ =	sdelay $0x1  }
0x45: {  	s6 =	sor.u32 $0x70, s4;
	[tilespmem:s14+$0xFFFFFBB0] =	vst v2  }
0x46: {  	[tilespmem:s6+$0x10280] =	vst v3;
	v2 =	vld [tilespmem:$0x40]  }
0x47: {  	[tilespmem:s14+$0x30] =	vst v1;
	v3 =	vld [tilespmem:$0x40]  }
0x48: {  	v1 =	vld [tilespmem:$0x40];
	v0 =	vadd.s32 s24, v0;
	_ =	sdelay $0x2  }
0x49: {  	v2 =	vadd.s32 s0, v2  }
0x4a: {  	v3 =	vadd.s32 s31, v3  }
0x4b: {  	v1 =	vadd.s32 s30, v1;
	v0 =	vld.idx.msk [tilespmem:v0+s10+$0x0], $0xffff;
	_ =	sdelay $0x2  }
0x4c: {  	v2 =	vld.idx.msk [tilespmem:v2+s10+$0x0], $0xffff  }
0x4d: {  	v3 =	vld.idx.msk [tilespmem:v3+s10+$0x0], $0xffff  }
0x4e: {  	v1 =	vld.idx.msk [tilespmem:v1+s10+$0x0], $0xffff;
	[tilespmem:s14+$0x280] =	vst v0  }
0x4f: {  	v0 =	vld [tilespmem:$0x50];
	_ =	sdelay $0x1  }
0x50: {  	[tilespmem:s14+$0xFFFFFBC0] =	vst v2  }
0x51: {  	[tilespmem:s14+$0xFFFFFE00] =	vst v3;
	v2 =	vld [tilespmem:$0x50]  }
0x52: {  	[tilespmem:s14+$0x40] =	vst v1;
	v3 =	vld [tilespmem:$0x50]  }
0x53: {  	v1 =	vld [tilespmem:$0x50];
	v0 =	vadd.s32 s24, v0;
	_ =	sdelay $0x2  }
0x54: {  	v2 =	vadd.s32 s0, v2  }
0x55: {  	v3 =	vadd.s32 s31, v3  }
0x56: {  	v1 =	vadd.s32 s30, v1;
	v0 =	vld.idx.msk [tilespmem:v0+s10+$0x0], $0xffff;
	_ =	sdelay $0x2  }
0x57: {  	v2 =	vld.idx.msk [tilespmem:v2+s10+$0x0], $0xffff  }
0x58: {  	v3 =	vld.idx.msk [tilespmem:v3+s10+$0x0], $0xffff  }
0x59: {  	v1 =	vld.idx.msk [tilespmem:v1+s10+$0x0], $0xffff;
	[tilespmem:s14+$0x290] =	vst v0  }
0x5a: {  	v0 =	vld [tilespmem:$0x60];
	_ =	sdelay $0x1  }
0x5b: {  	[tilespmem:s14+$0xFFFFFBD0] =	vst v2  }
0x5c: {  	[tilespmem:s14+$0xFFFFFE10] =	vst v3;
	v2 =	vld [tilespmem:$0x60]  }
0x5d: {  	[tilespmem:s14+$0x50] =	vst v1;
	v3 =	vld [tilespmem:$0x60]  }
0x5e: {  	v1 =	vld [tilespmem:$0x60];
	v0 =	vadd.s32 s24, v0;
	_ =	sdelay $0x2  }
0x5f: {  	v2 =	vadd.s32 s0, v2  }
0x60: {  	v3 =	vadd.s32 s31, v3  }
0x61: {  	v1 =	vadd.s32 s30, v1;
	v0 =	vld.idx.msk [tilespmem:v0+s10+$0x0], $0xffff;
	_ =	sdelay $0x2  }
0x62: {  	v2 =	vld.idx.msk [tilespmem:v2+s10+$0x0], $0xffff  }
0x63: {  	v3 =	vld.idx.msk [tilespmem:v3+s10+$0x0], $0xffff  }
0x64: {  	v1 =	vld.idx.msk [tilespmem:v1+s10+$0x0], $0xffff;
	[tilespmem:s14+$0x2A0] =	vst v0  }
0x65: {  	v0 =	vld [tilespmem:$0x70];
	_ =	sdelay $0x1  }
0x66: {  	[tilespmem:s14+$0xFFFFFBE0] =	vst v2  }
0x67: {  	[tilespmem:s14+$0xFFFFFE20] =	vst v3;
	v2 =	vld [tilespmem:$0x70]  }
0x68: {  	[tilespmem:s14+$0x60] =	vst v1;
	v3 =	vld [tilespmem:$0x70]  }
0x69: {  	v1 =	vld [tilespmem:$0x70];
	v0 =	vadd.s32 s24, v0;
	_ =	sdelay $0x2  }
0x6a: {  	v2 =	vadd.s32 s0, v2  }
0x6b: {  	v3 =	vadd.s32 s31, v3  }
0x6c: {  	v1 =	vadd.s32 s30, v1;
	v0 =	vld.idx.msk [tilespmem:v0+s10+$0x0], $0xffff;
	_ =	sdelay $0x2  }
0x6d: {  	v2 =	vld.idx.msk [tilespmem:v2+s10+$0x0], $0xffff  }
0x6e: {  	v3 =	vld.idx.msk [tilespmem:v3+s10+$0x0], $0xffff  }
0x6f: {  	v1 =	vld.idx.msk [tilespmem:v1+s10+$0x0], $0xffff;
	[tilespmem:s14+$0x2B0] =	vst v0  }
0x70: {  	v0 =	vld [tilespmem:$0x80];
	_ =	sdelay $0x1  }
0x71: {  	[tilespmem:s14+$0xFFFFFBF0] =	vst v2  }
0x72: {  	[tilespmem:s14+$0xFFFFFE30] =	vst v3;
	v2 =	vld [tilespmem:$0x80]  }
0x73: {  	[tilespmem:s14+$0x70] =	vst v1;
	v3 =	vld [tilespmem:$0x80]  }
0x74: {  	v1 =	vld [tilespmem:$0x80];
	v0 =	vadd.s32 s24, v0;
	_ =	sdelay $0x2  }
0x75: {  	v2 =	vadd.s32 s0, v2  }
0x76: {  	v3 =	vadd.s32 s31, v3  }
0x77: {  	v1 =	vadd.s32 s30, v1;
	v0 =	vld.idx.msk [tilespmem:v0+s10+$0x0], $0xffff;
	_ =	sdelay $0x2  }
0x78: {  	v2 =	vld.idx.msk [tilespmem:v2+s10+$0x0], $0xffff  }
0x79: {  	v3 =	vld.idx.msk [tilespmem:v3+s10+$0x0], $0xffff  }
0x7a: {  	v1 =	vld.idx.msk [tilespmem:v1+s10+$0x0], $0xffff;
	[tilespmem:s14+$0x2C0] =	vst v0  }
0x7b: {  	v0 =	vld [tilespmem:$0x90];
	_ =	sdelay $0x1  }
0x7c: {  	s7 =	sor.u32 $0xC0, s4;
	[tilespmem:s14+$0xFFFFFC00] =	vst v2  }
0x7d: {  	[tilespmem:s7+$0x10280] =	vst v3;
	v2 =	vld [tilespmem:$0x90]  }
0x7e: {  	[tilespmem:s14+$0x80] =	vst v1;
	v3 =	vld [tilespmem:$0x90]  }
0x7f: {  	v1 =	vld [tilespmem:$0x90];
	v0 =	vadd.s32 s24, v0;
	_ =	sdelay $0x2  }
0x80: {  	v2 =	vadd.s32 s0, v2  }
0x81: {  	v3 =	vadd.s32 s31, v3  }
0x82: {  	v1 =	vadd.s32 s30, v1;
	v0 =	vld.idx.msk [tilespmem:v0+s10+$0x0], $0xffff;
	_ =	sdelay $0x2  }
0x83: {  	v2 =	vld.idx.msk [tilespmem:v2+s10+$0x0], $0xffff  }
0x84: {  	v3 =	vld.idx.msk [tilespmem:v3+s10+$0x0], $0xffff  }
0x85: {  	v1 =	vld.idx.msk [tilespmem:v1+s10+$0x0], $0xffff;
	[tilespmem:s22+$0x10300] =	vst v0  }
0x86: {  	v0 =	vld [tilespmem:$0xA0];
	_ =	sdelay $0x1  }
0x87: {  	s8 =	sor.u32 $0xD0, s4;
	[tilespmem:s14+$0xFFFFFC10] =	vst v2  }
0x88: {  	[tilespmem:s8+$0x10280] =	vst v3;
	v2 =	vld [tilespmem:$0xA0]  }
0x89: {  	[tilespmem:s14+$0x90] =	vst v1;
	v3 =	vld [tilespmem:$0xA0]  }
0x8a: {  	v1 =	vld [tilespmem:$0xA0];
	v0 =	vadd.s32 s24, v0;
	_ =	sdelay $0x2  }
0x8b: {  	v2 =	vadd.s32 s0, v2  }
0x8c: {  	v3 =	vadd.s32 s31, v3  }
0x8d: {  	v1 =	vadd.s32 s30, v1;
	v0 =	vld.idx.msk [tilespmem:v0+s10+$0x0], $0xffff;
	_ =	sdelay $0x2  }
0x8e: {  	v2 =	vld.idx.msk [tilespmem:v2+s10+$0x0], $0xffff  }
0x8f: {  	v3 =	vld.idx.msk [tilespmem:v3+s10+$0x0], $0xffff  }
0x90: {  	v1 =	vld.idx.msk [tilespmem:v1+s10+$0x0], $0xffff;
	[tilespmem:s21+$0x10300] =	vst v0  }
0x91: {  	v0 =	vld [tilespmem:$0xB0];
	_ =	sdelay $0x1  }
0x92: {  	s11 =	sor.u32 $0xE0, s4;
	[tilespmem:s14+$0xFFFFFC20] =	vst v2  }
0x93: {  	[tilespmem:s11+$0x10280] =	vst v3;
	v2 =	vld [tilespmem:$0xB0]  }
0x94: {  	[tilespmem:s14+$0xA0] =	vst v1;
	v3 =	vld [tilespmem:$0xB0]  }
0x95: {  	v1 =	vld [tilespmem:$0xB0];
	v0 =	vadd.s32 s24, v0;
	_ =	sdelay $0x2  }
0x96: {  	v2 =	vadd.s32 s0, v2  }
0x97: {  	v3 =	vadd.s32 s31, v3  }
0x98: {  	v1 =	vadd.s32 s30, v1;
	v0 =	vld.idx.msk [tilespmem:v0+s10+$0x0], $0xffff;
	_ =	sdelay $0x2  }
0x99: {  	v2 =	vld.idx.msk [tilespmem:v2+s10+$0x0], $0xffff  }
0x9a: {  	v3 =	vld.idx.msk [tilespmem:v3+s10+$0x0], $0xffff  }
0x9b: {  	v1 =	vld.idx.msk [tilespmem:v1+s10+$0x0], $0xffff;
	[tilespmem:s20+$0x10300] =	vst v0  }
0x9c: {  	v0 =	vld [tilespmem:$0xC0];
	_ =	sdelay $0x1  }
0x9d: {  	s1 =	sor.u32 $0xF0, s4;
	[tilespmem:s14+$0xFFFFFC30] =	vst v2  }
0x9e: {  	[tilespmem:s1+$0x10280] =	vst v3;
	v2 =	vld [tilespmem:$0xC0]  }
0x9f: {  	[tilespmem:s14+$0xB0] =	vst v1;
	v3 =	vld [tilespmem:$0xC0]  }
0xa0: {  	v1 =	vld [tilespmem:$0xC0];
	v0 =	vadd.s32 s24, v0;
	_ =	sdelay $0x2  }
0xa1: {  	v2 =	vadd.s32 s0, v2  }
0xa2: {  	v3 =	vadd.s32 s31, v3  }
0xa3: {  	v1 =	vadd.s32 s30, v1;
	v0 =	vld.idx.msk [tilespmem:v0+s10+$0x0], $0xffff;
	_ =	sdelay $0x2  }
0xa4: {  	v2 =	vld.idx.msk [tilespmem:v2+s10+$0x0], $0xffff  }
0xa5: {  	v3 =	vld.idx.msk [tilespmem:v3+s10+$0x0], $0xffff  }
0xa6: {  	v1 =	vld.idx.msk [tilespmem:v1+s10+$0x0], $0xffff;
	[tilespmem:s14+$0x300] =	vst v0  }
0xa7: {  	v0 =	vld [tilespmem:$0xD0];
	_ =	sdelay $0x1  }
0xa8: {  	[tilespmem:s14+$0xFFFFFC40] =	vst v2  }
0xa9: {  	[tilespmem:s14+$0xFFFFFE80] =	vst v3;
	v2 =	vld [tilespmem:$0xD0]  }
0xaa: {  	[tilespmem:s14+$0xC0] =	vst v1;
	v3 =	vld [tilespmem:$0xD0]  }
0xab: {  	v1 =	vld [tilespmem:$0xD0];
	v0 =	vadd.s32 s24, v0;
	_ =	sdelay $0x2  }
0xac: {  	v2 =	vadd.s32 s0, v2  }
0xad: {  	v3 =	vadd.s32 s31, v3  }
0xae: {  	v1 =	vadd.s32 s30, v1;
	v0 =	vld.idx.msk [tilespmem:v0+s10+$0x0], $0xffff;
	_ =	sdelay $0x2  }
0xaf: {  	v2 =	vld.idx.msk [tilespmem:v2+s10+$0x0], $0xffff  }
0xb0: {  	v3 =	vld.idx.msk [tilespmem:v3+s10+$0x0], $0xffff  }
0xb1: {  	v1 =	vld.idx.msk [tilespmem:v1+s10+$0x0], $0xffff;
	[tilespmem:s14+$0x310] =	vst v0  }
0xb2: {  	v0 =	vld [tilespmem:$0xE0];
	_ =	sdelay $0x1  }
0xb3: {  	[tilespmem:s14+$0xFFFFFC50] =	vst v2  }
0xb4: {  	[tilespmem:s14+$0xFFFFFE90] =	vst v3;
	v2 =	vld [tilespmem:$0xE0]  }
0xb5: {  	[tilespmem:s14+$0xD0] =	vst v1;
	v3 =	vld [tilespmem:$0xE0]  }
0xb6: {  	v1 =	vld [tilespmem:$0xE0];
	v0 =	vadd.s32 s24, v0;
	_ =	sdelay $0x2  }
0xb7: {  	v2 =	vadd.s32 s0, v2  }
0xb8: {  	v3 =	vadd.s32 s31, v3  }
0xb9: {  	v1 =	vadd.s32 s30, v1;
	v0 =	vld.idx.msk [tilespmem:v0+s10+$0x0], $0xffff;
	_ =	sdelay $0x2  }
0xba: {  	v2 =	vld.idx.msk [tilespmem:v2+s10+$0x0], $0xffff  }
0xbb: {  	v3 =	vld.idx.msk [tilespmem:v3+s10+$0x0], $0xffff  }
0xbc: {  	v1 =	vld.idx.msk [tilespmem:v1+s10+$0x0], $0xffff;
	[tilespmem:s14+$0x320] =	vst v0  }
0xbd: {  	v0 =	vld [tilespmem:$0xF0];
	_ =	sdelay $0x1  }
0xbe: {  	[tilespmem:s14+$0xFFFFFC60] =	vst v2  }
0xbf: {  	[tilespmem:s14+$0xFFFFFEA0] =	vst v3;
	v2 =	vld [tilespmem:$0xF0]  }
0xc0: {  	[tilespmem:s14+$0xE0] =	vst v1;
	v3 =	vld [tilespmem:$0xF0]  }
0xc1: {  	v1 =	vld [tilespmem:$0xF0];
	v0 =	vadd.s32 s24, v0;
	_ =	sdelay $0x2  }
0xc2: {  	v2 =	vadd.s32 s0, v2  }
0xc3: {  	v3 =	vadd.s32 s31, v3  }
0xc4: {  	v1 =	vadd.s32 s30, v1;
	v0 =	vld.idx.msk [tilespmem:v0+s10+$0x0], $0xffff;
	_ =	sdelay $0x2  }
0xc5: {  	v2 =	vld.idx.msk [tilespmem:v2+s10+$0x0], $0xffff  }
0xc6: {  	v3 =	vld.idx.msk [tilespmem:v3+s10+$0x0], $0xffff  }
0xc7: {  	v1 =	vld.idx.msk [tilespmem:v1+s10+$0x0], $0xffff;
	[tilespmem:s14+$0x330] =	vst v0  }
0xc8: {  	v0 =	vld [tilespmem:$0x100]  }
0xc9: {  	v5 =	vld [tilespmem:$0x0]  }
0xca: {  	v4 =	vld [tilespmem:$0x0];
	[tilespmem:s14+$0xFFFFFC70] =	vst v2  }
0xcb: {  	[tilespmem:s14+$0xFFFFFEB0] =	vst v3;
	v2 =	vld [tilespmem:$0x100]  }
0xcc: {  	[tilespmem:s14+$0xF0] =	vst v1;
	v3 =	vld [tilespmem:$0x100]  }
0xcd: {  	s19 =	simm.s32 $0x1C00;
	v1 =	vld [tilespmem:$0x100];
	v0 =	vadd.s32 s24, v0  }
0xce: {  	s17 =	simm.s32 $0x1000;
	v5 =	vadd.s32 s19, v5  }
0xcf: {  	v6 =	vadd.s32 s17, v4  }
0xd0: {  	v2 =	vadd.s32 s0, v2  }
0xd1: {  	v3 =	vadd.s32 s31, v3  }
0xd2: {  	v1 =	vadd.s32 s30, v1;
	v0 =	vld.idx.msk [tilespmem:v0+s10+$0x0], $0xffff  }
0xd3: {  	v5 =	vld.idx.msk [tilespmem:v5+s10+$0x0], $0xffff  }
0xd4: {  	v6 =	vld.idx.msk [tilespmem:v6+s10+$0x0], $0xffff  }
0xd5: {  	v2 =	vld.idx.msk [tilespmem:v2+s10+$0x0], $0xffff  }
0xd6: {  	v3 =	vld.idx.msk [tilespmem:v3+s10+$0x0], $0xffff  }
0xd7: {  	s15 =	simm.s32 $0x11000;
	v1 =	vld.idx.msk [tilespmem:v1+s10+$0x0], $0xffff;
	[tilespmem:s14+$0x340] =	vst v0  }
0xd8: {  	[tilespmem:s15+$0x240] =	vst v5;
	v0 =	vld [tilespmem:$0x110]  }
0xd9: {  	[tilespmem:s15+$0xFFFFFB80] =	vst v6  }
0xda: {  	s16 =	simm.s32 $0x1400;
	[tilespmem:s14+$0xFFFFFC80] =	vst v2  }
0xdb: {  	s18 =	simm.s32 $0x1800;
	v5 =	vld [tilespmem:$0x10];
	[tilespmem:s14+$0xFFFFFEC0] =	vst v3;
	v3 =	vadd.s32 s16, v4  }
0xdc: {  	v6 =	vld [tilespmem:$0x10];
	[tilespmem:s14+$0x100] =	vst v1;
	v1 =	vadd.s32 s18, v4  }
0xdd: {  	v2 =	vld [tilespmem:$0x110];
	v0 =	vadd.s32 s24, v0  }
0xde: {  	v7 =	vld [tilespmem:$0x110]  }
0xdf: {  	v4 =	vld [tilespmem:$0x110]  }
0xe0: {  	v5 =	vadd.s32 s19, v5;
	v3 =	vld.idx.msk [tilespmem:v3+s10+$0x0], $0xffff  }
0xe1: {  	v1 =	vld.idx.msk [tilespmem:v1+s10+$0x0], $0xffff  }
0xe2: {  	v0 =	vld.idx.msk [tilespmem:v0+s10+$0x0], $0xffff  }
0xe3: {  	v2 =	vadd.s32 s0, v2;
	_ =	sdelay $0x1  }
0xe4: {  	v5 =	vld.idx.msk [tilespmem:v5+s10+$0x0], $0xffff;
	[tilespmem:s15+$0xFFFFFDC0] =	vst v3  }
0xe5: {  	v6 =	vadd.s32 s17, v6;
	v3 =	vadd.s32 s31, v7;
	[tilespmem:s15+$0x0] =	vst v1;
	v7 =	vld [tilespmem:$0x10]  }
0xe6: {  	[tilespmem:s14+$0x350] =	vst v0;
	v0 =	vadd.s32 s30, v4;
	v4 =	vld [tilespmem:$0x10]  }
0xe7: {  	v2 =	vld.idx.msk [tilespmem:v2+s10+$0x0], $0xffff  }
0xe8: {  	v1 =	vld [tilespmem:$0x120]  }
0xe9: {  	s12 =	simm.s32 $0xFC0  }
0xea: {  	v6 =	vld.idx.msk [tilespmem:v6+s10+$0x0], $0xffff;
	s8 =	sor.u32 $0x50, s12;
	v7 =	vadd.s32 s16, v7  }
0xeb: {  	[tilespmem:s8+$0x10280] =	vst v5;
	v3 =	vld.idx.msk [tilespmem:v3+s10+$0x0], $0xffff;
	v4 =	vadd.s32 s18, v4  }
0xec: {  	v5 =	vld [tilespmem:$0x20];
	[tilespmem:s14+$0xFFFFFC90] =	vst v2  }
0xed: {  	v2 =	vld [tilespmem:$0x120];
	v1 =	vadd.s32 s24, v1  }
0xee: {  	v0 =	vld.idx.msk [tilespmem:v0+s10+$0x0], $0xffff  }
0xef: {  	v7 =	vld.idx.msk [tilespmem:v7+s10+$0x0], $0xffff  }
0xf0: {  	[tilespmem:s14+$0xFFFFFED0] =	vst v3;
	v3 =	vld.idx.msk [tilespmem:v4+s10+$0x0], $0xffff  }
0xf1: {  	v4 =	vld [tilespmem:$0x120]  }
0xf2: {  	s23 =	simm.s32 $0xB40;
	[tilespmem:s15+$0xFFFFFB90] =	vst v6;
	v1 =	vld.idx.msk [tilespmem:v1+s10+$0x0], $0xffff  }
0xf3: {  	s25 =	sor.u32 $0x50, s23;
	v6 =	vld [tilespmem:$0x20]  }
0xf4: {  	[tilespmem:s25+$0x10280] =	vst v7  }
0xf5: {  	v7 =	vld [tilespmem:$0x20];
	[tilespmem:s15+$0x10] =	vst v3  }
0xf6: {  	[tilespmem:s14+$0x110] =	vst v0;
	v0 =	vadd.s32 s31, v4;
	v4 =	vadd.s32 s19, v5;
	v3 =	vld [tilespmem:$0x20]  }
0xf7: {  	v5 =	vld [tilespmem:$0x120];
	[tilespmem:s14+$0x360] =	vst v1;
	v1 =	vadd.s32 s0, v2  }
0xf8: {  	v6 =	vadd.s32 s17, v6;
	_ =	sdelay $0x1  }
0xf9: {  	v7 =	vadd.s32 s16, v7;
	v2 =	vld [tilespmem:$0x130]  }
0xfa: {  	v4 =	vld.idx.msk [tilespmem:v4+s10+$0x0], $0xffff;
	v3 =	vadd.s32 s18, v3  }
0xfb: {  	v5 =	vadd.s32 s30, v5;
	v1 =	vld.idx.msk [tilespmem:v1+s10+$0x0], $0xffff  }
0xfc: {  	v6 =	vld.idx.msk [tilespmem:v6+s10+$0x0], $0xffff  }
0xfd: {  	v0 =	vld.idx.msk [tilespmem:v0+s10+$0x0], $0xffff  }
0xfe: {  	s5 =	sor.u32 $0x60, s12;
	v7 =	vld.idx.msk [tilespmem:v7+s10+$0x0], $0xffff  }
0xff: {  	v2 =	vadd.s32 s24, v2;
	[tilespmem:s5+$0x10280] =	vst v4;
	v3 =	vld.idx.msk [tilespmem:v3+s10+$0x0], $0xffff  }
0x100: {  	[tilespmem:s14+$0xFFFFFCA0] =	vst v1;
	v1 =	vld.idx.msk [tilespmem:v5+s10+$0x0], $0xffff  }
0x101: {  	v5 =	vld [tilespmem:$0x30]  }
0x102: {  	[tilespmem:s15+$0xFFFFFBA0] =	vst v6;
	v4 =	vld [tilespmem:$0x130]  }
0x103: {  	s26 =	sor.u32 $0x60, s23;
	v6 =	vld [tilespmem:$0x30]  }
0x104: {  	[tilespmem:s26+$0x10280] =	vst v7;
	v2 =	vld.idx.msk [tilespmem:v2+s10+$0x0], $0xffff  }
0x105: {  	v7 =	vld [tilespmem:$0x30];
	[tilespmem:s15+$0x20] =	vst v3  }
0x106: {  	[tilespmem:s14+$0xFFFFFEE0] =	vst v0;
	v0 =	vld [tilespmem:$0x30]  }
0x107: {  	[tilespmem:s14+$0x120] =	vst v1;
	v1 =	vadd.s32 s19, v5;
	v3 =	vadd.s32 s0, v4;
	v4 =	vld [tilespmem:$0x130]  }
0x108: {  	v5 =	vadd.s32 s17, v6;
	v6 =	vld [tilespmem:$0x130]  }
0x109: {  	[tilespmem:s14+$0x370] =	vst v2  }
0x10a: {  	v7 =	vadd.s32 s16, v7;
	v2 =	vld [tilespmem:$0x140]  }
0x10b: {  	v0 =	vadd.s32 s18, v0  }
0x10c: {  	v1 =	vld.idx.msk [tilespmem:v1+s10+$0x0], $0xffff;
	v4 =	vadd.s32 s31, v4  }
0x10d: {  	v5 =	vld.idx.msk [tilespmem:v5+s10+$0x0], $0xffff;
	v6 =	vadd.s32 s30, v6  }
0x10e: {  	v3 =	vld.idx.msk [tilespmem:v3+s10+$0x0], $0xffff  }
0x10f: {  	v7 =	vld.idx.msk [tilespmem:v7+s10+$0x0], $0xffff;
	v2 =	vadd.s32 s24, v2  }
0x110: {  	v0 =	vld.idx.msk [tilespmem:v0+s10+$0x0], $0xffff  }
0x111: {  	s1 =	sor.u32 $0x70, s12;
	v4 =	vld.idx.msk [tilespmem:v4+s10+$0x0], $0xffff  }
0x112: {  	[tilespmem:s1+$0x10280] =	vst v1;
	v1 =	vld.idx.msk [tilespmem:v6+s10+$0x0], $0xffff  }
0x113: {  	[tilespmem:s15+$0xFFFFFBB0] =	vst v5;
	v5 =	vld [tilespmem:$0x40]  }
0x114: {  	s4 =	sor.u32 $0x70, s23;
	v2 =	vld.idx.msk [tilespmem:v2+s10+$0x0], $0xffff  }
0x115: {  	v6 =	vld [tilespmem:$0x40];
	[tilespmem:s4+$0x10280] =	vst v7  }
0x116: {  	[tilespmem:s14+$0xFFFFFCB0] =	vst v3  }
0x117: {  	v7 =	vld [tilespmem:$0x40];
	[tilespmem:s15+$0x30] =	vst v0  }
0x118: {  	[tilespmem:s14+$0xFFFFFEF0] =	vst v4;
	v4 =	vld [tilespmem:$0x140]  }
0x119: {  	[tilespmem:s14+$0x380] =	vst v2;
	v2 =	vld [tilespmem:$0x40]  }
0x11a: {  	v3 =	vadd.s32 s19, v5;
	v5 =	vadd.s32 s17, v6;
	v6 =	vld [tilespmem:$0x140];
	_ =	sdelay $0x1  }
0x11b: {  	v7 =	vadd.s32 s16, v7;
	v0 =	vld [tilespmem:$0x150]  }
0x11c: {  	[tilespmem:s14+$0x130] =	vst v1;
	v4 =	vadd.s32 s0, v4  }
0x11d: {  	v1 =	vld [tilespmem:$0x140];
	v2 =	vadd.s32 s18, v2  }
0x11e: {  	v3 =	vld.idx.msk [tilespmem:v3+s10+$0x0], $0xffff;
	v6 =	vadd.s32 s31, v6  }
0x11f: {  	v5 =	vld.idx.msk [tilespmem:v5+s10+$0x0], $0xffff  }
0x120: {  	v7 =	vld.idx.msk [tilespmem:v7+s10+$0x0], $0xffff;
	v0 =	vadd.s32 s24, v0  }
0x121: {  	v4 =	vld.idx.msk [tilespmem:v4+s10+$0x0], $0xffff  }
0x122: {  	v2 =	vld.idx.msk [tilespmem:v2+s10+$0x0], $0xffff  }
0x123: {  	[tilespmem:s15+$0x280] =	vst v3;
	v3 =	vld.idx.msk [tilespmem:v6+s10+$0x0], $0xffff  }
0x124: {  	[tilespmem:s15+$0xFFFFFBC0] =	vst v5;
	v5 =	vld [tilespmem:$0x50]  }
0x125: {  	v0 =	vld.idx.msk [tilespmem:v0+s10+$0x0], $0xffff  }
0x126: {  	v6 =	vld [tilespmem:$0x50]  }
0x127: {  	[tilespmem:s15+$0xFFFFFE00] =	vst v7  }
0x128: {  	[tilespmem:s14+$0xFFFFFCC0] =	vst v4  }
0x129: {  	v7 =	vld [tilespmem:$0x50];
	[tilespmem:s15+$0x40] =	vst v2;
	v4 =	vadd.s32 s19, v5  }
0x12a: {  	[tilespmem:s14+$0x390] =	vst v0;
	v0 =	vadd.s32 s30, v1;
	v2 =	vld [tilespmem:$0x50]  }
0x12b: {  	v5 =	vadd.s32 s17, v6  }
0x12c: {  	v1 =	vld [tilespmem:$0x160]  }
0x12d: {  	v6 =	vld [tilespmem:$0x150]  }
0x12e: {  	v7 =	vadd.s32 s16, v7;
	v4 =	vld.idx.msk [tilespmem:v4+s10+$0x0], $0xffff  }
0x12f: {  	v0 =	vld.idx.msk [tilespmem:v0+s10+$0x0], $0xffff;
	v2 =	vadd.s32 s18, v2  }
0x130: {  	v5 =	vld.idx.msk [tilespmem:v5+s10+$0x0], $0xffff  }
0x131: {  	[tilespmem:s14+$0xFFFFFF00] =	vst v3;
	v1 =	vadd.s32 s24, v1  }
0x132: {  	v3 =	vld [tilespmem:$0x150]  }
0x133: {  	v7 =	vld.idx.msk [tilespmem:v7+s10+$0x0], $0xffff;
	[tilespmem:s15+$0x290] =	vst v4  }
0x134: {  	v6 =	vadd.s32 s0, v6;
	[tilespmem:s14+$0x140] =	vst v0;
	v0 =	vld.idx.msk [tilespmem:v2+s10+$0x0], $0xffff  }
0x135: {  	[tilespmem:s15+$0xFFFFFBD0] =	vst v5;
	v5 =	vld [tilespmem:$0x60]  }
0x136: {  	v1 =	vld.idx.msk [tilespmem:v1+s10+$0x0], $0xffff  }
0x137: {  	v2 =	vld [tilespmem:$0x150];
	_ =	sdelay $0x1  }
0x138: {  	v4 =	vld.idx.msk [tilespmem:v6+s10+$0x0], $0xffff  }
0x139: {  	v6 =	vld [tilespmem:$0x60];
	[tilespmem:s15+$0xFFFFFE10] =	vst v7  }
0x13a: {  	v3 =	vadd.s32 s31, v3;
	v7 =	vld [tilespmem:$0x60];
	[tilespmem:s15+$0x50] =	vst v0  }
0x13b: {  	v5 =	vadd.s32 s19, v5;
	[tilespmem:s14+$0x3A0] =	vst v1;
	v1 =	vadd.s32 s30, v2;
	v2 =	vld [tilespmem:$0x60];
	_ =	sdelay $0x2  }
0x13c: {  	v6 =	vadd.s32 s17, v6;
	v0 =	vld [tilespmem:$0x170]  }
0x13d: {  	v3 =	vld.idx.msk [tilespmem:v3+s10+$0x0], $0xffff;
	[tilespmem:s14+$0xFFFFFCD0] =	vst v4;
	v4 =	vadd.s32 s16, v7  }
0x13e: {  	v5 =	vld.idx.msk [tilespmem:v5+s10+$0x0], $0xffff;
	v2 =	vadd.s32 s18, v2  }
0x13f: {  	v1 =	vld.idx.msk [tilespmem:v1+s10+$0x0], $0xffff  }
0x140: {  	v7 =	vld [tilespmem:$0x160]  }
0x141: {  	v6 =	vld.idx.msk [tilespmem:v6+s10+$0x0], $0xffff;
	v0 =	vadd.s32 s24, v0  }
0x142: {  	[tilespmem:s14+$0xFFFFFF10] =	vst v3;
	v4 =	vld.idx.msk [tilespmem:v4+s10+$0x0], $0xffff  }
0x143: {  	[tilespmem:s15+$0x2A0] =	vst v5;
	v2 =	vld.idx.msk [tilespmem:v2+s10+$0x0], $0xffff  }
0x144: {  	[tilespmem:s14+$0x150] =	vst v1;
	v1 =	vld [tilespmem:$0x160]  }
0x145: {  	v5 =	vld [tilespmem:$0x70]  }
0x146: {  	[tilespmem:s15+$0xFFFFFBE0] =	vst v6;
	v0 =	vld.idx.msk [tilespmem:v0+s10+$0x0], $0xffff  }
0x147: {  	v6 =	vld [tilespmem:$0x70]  }
0x148: {  	[tilespmem:s15+$0xFFFFFE20] =	vst v4;
	v4 =	vadd.s32 s0, v7;
	v3 =	vld [tilespmem:$0x160]  }
0x149: {  	v7 =	vld [tilespmem:$0x70];
	[tilespmem:s15+$0x60] =	vst v2  }
0x14a: {  	v5 =	vadd.s32 s19, v5;
	v2 =	vld [tilespmem:$0x70]  }
0x14b: {  	[tilespmem:s14+$0x3B0] =	vst v0;
	v0 =	vadd.s32 s31, v1  }
0x14c: {  	v6 =	vadd.s32 s17, v6  }
0x14d: {  	v4 =	vld.idx.msk [tilespmem:v4+s10+$0x0], $0xffff;
	v3 =	vadd.s32 s30, v3  }
0x14e: {  	v7 =	vadd.s32 s16, v7;
	v1 =	vld [tilespmem:$0x180]  }
0x14f: {  	v5 =	vld.idx.msk [tilespmem:v5+s10+$0x0], $0xffff;
	v2 =	vadd.s32 s18, v2  }
0x150: {  	v0 =	vld.idx.msk [tilespmem:v0+s10+$0x0], $0xffff  }
0x151: {  	v6 =	vld.idx.msk [tilespmem:v6+s10+$0x0], $0xffff  }
0x152: {  	v3 =	vld.idx.msk [tilespmem:v3+s10+$0x0], $0xffff  }
0x153: {  	[tilespmem:s14+$0xFFFFFCE0] =	vst v4;
	v7 =	vld.idx.msk [tilespmem:v7+s10+$0x0], $0xffff  }
0x154: {  	[tilespmem:s15+$0x2B0] =	vst v5;
	v2 =	vld.idx.msk [tilespmem:v2+s10+$0x0], $0xffff  }
0x155: {  	v1 =	vadd.s32 s24, v1;
	[tilespmem:s14+$0xFFFFFF20] =	vst v0;
	v0 =	vld [tilespmem:$0x170]  }
0x156: {  	[tilespmem:s15+$0xFFFFFBF0] =	vst v6;
	v5 =	vld [tilespmem:$0x80]  }
0x157: {  	v6 =	vld [tilespmem:$0x80]  }
0x158: {  	v4 =	vld [tilespmem:$0x170];
	_ =	sdelay $0x1  }
0x159: {  	[tilespmem:s15+$0xFFFFFE30] =	vst v7;
	v1 =	vld.idx.msk [tilespmem:v1+s10+$0x0], $0xffff  }
0x15a: {  	v7 =	vld [tilespmem:$0x80];
	[tilespmem:s15+$0x70] =	vst v2  }
0x15b: {  	[tilespmem:s14+$0x160] =	vst v3;
	v0 =	vadd.s32 s0, v0;
	v2 =	vld [tilespmem:$0x80]  }
0x15c: {  	v6 =	vadd.s32 s17, v6;
	v3 =	vadd.s32 s31, v4;
	v4 =	vadd.s32 s19, v5;
	v5 =	vld [tilespmem:$0x170];
	_ =	sdelay $0x1  }
0x15d: {  	[tilespmem:s14+$0x3C0] =	vst v1  }
0x15e: {  	v7 =	vadd.s32 s16, v7;
	v1 =	vld [tilespmem:$0x190]  }
0x15f: {  	v0 =	vld.idx.msk [tilespmem:v0+s10+$0x0], $0xffff;
	v2 =	vadd.s32 s18, v2  }
0x160: {  	v6 =	vld.idx.msk [tilespmem:v6+s10+$0x0], $0xffff;
	v5 =	vadd.s32 s30, v5  }
0x161: {  	v4 =	vld.idx.msk [tilespmem:v4+s10+$0x0], $0xffff  }
0x162: {  	v3 =	vld.idx.msk [tilespmem:v3+s10+$0x0], $0xffff  }
0x163: {  	v7 =	vld.idx.msk [tilespmem:v7+s10+$0x0], $0xffff;
	v1 =	vadd.s32 s24, v1  }
0x164: {  	[tilespmem:s14+$0xFFFFFCF0] =	vst v0;
	v2 =	vld.idx.msk [tilespmem:v2+s10+$0x0], $0xffff  }
0x165: {  	[tilespmem:s15+$0xFFFFFC00] =	vst v6;
	v0 =	vld.idx.msk [tilespmem:v5+s10+$0x0], $0xffff  }
0x166: {  	[tilespmem:s15+$0x2C0] =	vst v4;
	v4 =	vld [tilespmem:$0x180]  }
0x167: {  	v6 =	vld [tilespmem:$0x90]  }
0x168: {  	v1 =	vld.idx.msk [tilespmem:v1+s10+$0x0], $0xffff  }
0x169: {  	s6 =	sor.u32 $0xC0, s23;
	v5 =	vld [tilespmem:$0x90]  }
0x16a: {  	[tilespmem:s6+$0x10280] =	vst v7  }
0x16b: {  	[tilespmem:s14+$0xFFFFFF30] =	vst v3;
	v7 =	vld [tilespmem:$0x90]  }
0x16c: {  	[tilespmem:s15+$0x80] =	vst v2;
	v3 =	vadd.s32 s0, v4;
	v4 =	vld [tilespmem:$0x180]  }
0x16d: {  	[tilespmem:s14+$0x170] =	vst v0;
	v2 =	vld [tilespmem:$0x90]  }
0x16e: {  	[tilespmem:s22+$0x10400] =	vst v1;
	v0 =	vadd.s32 s19, v5;
	v5 =	vadd.s32 s17, v6;
	v6 =	vld [tilespmem:$0x180]  }
0x16f: {  	v1 =	vld [tilespmem:$0x1A0]  }
0x170: {  	v7 =	vadd.s32 s16, v7  }
0x171: {  	v4 =	vadd.s32 s31, v4  }
0x172: {  	v3 =	vld.idx.msk [tilespmem:v3+s10+$0x0], $0xffff;
	v2 =	vadd.s32 s18, v2  }
0x173: {  	v0 =	vld.idx.msk [tilespmem:v0+s10+$0x0], $0xffff;
	v6 =	vadd.s32 s30, v6  }
0x174: {  	v5 =	vld.idx.msk [tilespmem:v5+s10+$0x0], $0xffff;
	v1 =	vadd.s32 s24, v1  }
0x175: {  	v7 =	vld.idx.msk [tilespmem:v7+s10+$0x0], $0xffff  }
0x176: {  	v4 =	vld.idx.msk [tilespmem:v4+s10+$0x0], $0xffff  }
0x177: {  	v2 =	vld.idx.msk [tilespmem:v2+s10+$0x0], $0xffff  }
0x178: {  	[tilespmem:s8+$0x10300] =	vst v0;
	v0 =	vld.idx.msk [tilespmem:v6+s10+$0x0], $0xffff  }
0x179: {  	v1 =	vld.idx.msk [tilespmem:v1+s10+$0x0], $0xffff  }
0x17a: {  	s7 =	sor.u32 $0xD0, s23;
	[tilespmem:s15+$0xFFFFFC10] =	vst v5;
	v5 =	vld [tilespmem:$0xA0]  }
0x17b: {  	[tilespmem:s7+$0x10280] =	vst v7;
	v6 =	vld [tilespmem:$0xA0]  }
0x17c: {  	[tilespmem:s14+$0xFFFFFD00] =	vst v3;
	v7 =	vld [tilespmem:$0xA0]  }
0x17d: {  	[tilespmem:s14+$0xFFFFFF40] =	vst v4  }
0x17e: {  	v4 =	vld [tilespmem:$0x190];
	[tilespmem:s15+$0x90] =	vst v2  }
0x17f: {  	[tilespmem:s21+$0x10400] =	vst v1;
	v2 =	vld [tilespmem:$0xA0];
	v3 =	vadd.s32 s19, v5  }
0x180: {  	v5 =	vadd.s32 s17, v6;
	v1 =	vld [tilespmem:$0x1B0]  }
0x181: {  	v6 =	vld [tilespmem:$0x190];
	v7 =	vadd.s32 s16, v7;
	_ =	sdelay $0x1  }
0x182: {  	v4 =	vadd.s32 s0, v4  }
0x183: {  	v2 =	vadd.s32 s18, v2;
	v3 =	vld.idx.msk [tilespmem:v3+s10+$0x0], $0xffff  }
0x184: {  	[tilespmem:s14+$0x180] =	vst v0;
	v5 =	vld.idx.msk [tilespmem:v5+s10+$0x0], $0xffff;
	v0 =	vadd.s32 s24, v1  }
0x185: {  	v6 =	vadd.s32 s31, v6;
	v7 =	vld.idx.msk [tilespmem:v7+s10+$0x0], $0xffff  }
0x186: {  	v1 =	vld [tilespmem:$0x190]  }
0x187: {  	v4 =	vld.idx.msk [tilespmem:v4+s10+$0x0], $0xffff  }
0x188: {  	v2 =	vld.idx.msk [tilespmem:v2+s10+$0x0], $0xffff  }
0x189: {  	v0 =	vld.idx.msk [tilespmem:v0+s10+$0x0], $0xffff  }
0x18a: {  	[tilespmem:s5+$0x10300] =	vst v3;
	v3 =	vld.idx.msk [tilespmem:v6+s10+$0x0], $0xffff  }
0x18b: {  	s11 =	sor.u32 $0xE0, s23;
	[tilespmem:s15+$0xFFFFFC20] =	vst v5;
	v5 =	vld [tilespmem:$0xB0]  }
0x18c: {  	[tilespmem:s11+$0x10280] =	vst v7;
	v6 =	vld [tilespmem:$0xB0]  }
0x18d: {  	v7 =	vld [tilespmem:$0xB0];
	[tilespmem:s15+$0xA0] =	vst v2  }
0x18e: {  	[tilespmem:s20+$0x10400] =	vst v0;
	v0 =	vadd.s32 s30, v1;
	v2 =	vld [tilespmem:$0xB0]  }
0x18f: {  	v1 =	vld [tilespmem:$0x1C0]  }
0x190: {  	[tilespmem:s14+$0xFFFFFD10] =	vst v4;
	v4 =	vadd.s32 s19, v5  }
0x191: {  	v5 =	vadd.s32 s17, v6;
	v6 =	vld [tilespmem:$0x1A0]  }
0x192: {  	v7 =	vadd.s32 s16, v7  }
0x193: {  	[tilespmem:s14+$0xFFFFFF50] =	vst v3;
	v0 =	vld.idx.msk [tilespmem:v0+s10+$0x0], $0xffff;
	v2 =	vadd.s32 s18, v2  }
0x194: {  	v3 =	vld [tilespmem:$0x1A0];
	v1 =	vadd.s32 s24, v1  }
0x195: {  	v4 =	vld.idx.msk [tilespmem:v4+s10+$0x0], $0xffff  }
0x196: {  	v5 =	vld.idx.msk [tilespmem:v5+s10+$0x0], $0xffff;
	v6 =	vadd.s32 s0, v6  }
0x197: {  	v7 =	vld.idx.msk [tilespmem:v7+s10+$0x0], $0xffff  }
0x198: {  	[tilespmem:s14+$0x190] =	vst v0;
	v0 =	vld.idx.msk [tilespmem:v2+s10+$0x0], $0xffff  }
0x199: {  	v1 =	vld.idx.msk [tilespmem:v1+s10+$0x0], $0xffff  }
0x19a: {  	v2 =	vld [tilespmem:$0x1A0]  }
0x19b: {  	[tilespmem:s1+$0x10300] =	vst v4;
	v4 =	vld.idx.msk [tilespmem:v6+s10+$0x0], $0xffff  }
0x19c: {  	s2 =	sor.u32 $0xF0, s23;
	[tilespmem:s15+$0xFFFFFC30] =	vst v5;
	v5 =	vld [tilespmem:$0xC0]  }
0x19d: {  	[tilespmem:s2+$0x10280] =	vst v7;
	v6 =	vld [tilespmem:$0xC0]  }
0x19e: {  	v3 =	vadd.s32 s31, v3;
	v7 =	vld [tilespmem:$0xC0];
	[tilespmem:s15+$0xB0] =	vst v0  }
0x19f: {  	[tilespmem:s14+$0x400] =	vst v1;
	v1 =	vadd.s32 s30, v2;
	v2 =	vld [tilespmem:$0xC0];
	_ =	sdelay $0x1  }
0x1a0: {  	v5 =	vadd.s32 s19, v5;
	v0 =	vld [tilespmem:$0x1D0]  }
0x1a1: {  	v6 =	vadd.s32 s17, v6  }
0x1a2: {  	v3 =	vld.idx.msk [tilespmem:v3+s10+$0x0], $0xffff;
	[tilespmem:s14+$0xFFFFFD20] =	vst v4;
	v4 =	vadd.s32 s16, v7  }
0x1a3: {  	v7 =	vld [tilespmem:$0x1B0];
	v2 =	vadd.s32 s18, v2  }
0x1a4: {  	v1 =	vld.idx.msk [tilespmem:v1+s10+$0x0], $0xffff  }
0x1a5: {  	v5 =	vld.idx.msk [tilespmem:v5+s10+$0x0], $0xffff;
	v0 =	vadd.s32 s24, v0  }
0x1a6: {  	v6 =	vld.idx.msk [tilespmem:v6+s10+$0x0], $0xffff  }
0x1a7: {  	v4 =	vld.idx.msk [tilespmem:v4+s10+$0x0], $0xffff  }
0x1a8: {  	[tilespmem:s14+$0xFFFFFF60] =	vst v3;
	v2 =	vld.idx.msk [tilespmem:v2+s10+$0x0], $0xffff  }
0x1a9: {  	[tilespmem:s14+$0x1A0] =	vst v1;
	v1 =	vld [tilespmem:$0x1B0]  }
0x1aa: {  	v0 =	vld.idx.msk [tilespmem:v0+s10+$0x0], $0xffff  }
0x1ab: {  	[tilespmem:s15+$0x300] =	vst v5;
	v3 =	vld [tilespmem:$0x1B0]  }
0x1ac: {  	[tilespmem:s15+$0xFFFFFC40] =	vst v6;
	v5 =	vld [tilespmem:$0xD0]  }
0x1ad: {  	[tilespmem:s15+$0xFFFFFE80] =	vst v4;
	v4 =	vadd.s32 s0, v7;
	v6 =	vld [tilespmem:$0xD0]  }
0x1ae: {  	v7 =	vld [tilespmem:$0xD0];
	[tilespmem:s15+$0xC0] =	vst v2  }
0x1af: {  	[tilespmem:s14+$0x410] =	vst v0;
	v0 =	vadd.s32 s31, v1;
	v2 =	vld [tilespmem:$0xD0]  }
0x1b0: {  	v3 =	vadd.s32 s30, v3  }
0x1b1: {  	v5 =	vadd.s32 s19, v5  }
0x1b2: {  	v4 =	vld.idx.msk [tilespmem:v4+s10+$0x0], $0xffff;
	v6 =	vadd.s32 s17, v6  }
0x1b3: {  	v7 =	vadd.s32 s16, v7;
	v1 =	vld [tilespmem:$0x1E0]  }
0x1b4: {  	v0 =	vld.idx.msk [tilespmem:v0+s10+$0x0], $0xffff;
	v2 =	vadd.s32 s18, v2  }
0x1b5: {  	v3 =	vld.idx.msk [tilespmem:v3+s10+$0x0], $0xffff  }
0x1b6: {  	v5 =	vld.idx.msk [tilespmem:v5+s10+$0x0], $0xffff  }
0x1b7: {  	v6 =	vld.idx.msk [tilespmem:v6+s10+$0x0], $0xffff  }
0x1b8: {  	v7 =	vld.idx.msk [tilespmem:v7+s10+$0x0], $0xffff;
	v1 =	vadd.s32 s24, v1  }
0x1b9: {  	[tilespmem:s14+$0xFFFFFD30] =	vst v4;
	v2 =	vld.idx.msk [tilespmem:v2+s10+$0x0], $0xffff  }
0x1ba: {  	[tilespmem:s14+$0xFFFFFF70] =	vst v0;
	v0 =	vld [tilespmem:$0x1C0]  }
0x1bb: {  	[tilespmem:s15+$0x310] =	vst v5;
	v4 =	vld [tilespmem:$0x1C0]  }
0x1bc: {  	v5 =	vld [tilespmem:$0xE0]  }
0x1bd: {  	[tilespmem:s15+$0xFFFFFC50] =	vst v6;
	v1 =	vld.idx.msk [tilespmem:v1+s10+$0x0], $0xffff  }
0x1be: {  	[tilespmem:s15+$0xFFFFFE90] =	vst v7;
	v6 =	vld [tilespmem:$0xE0]  }
0x1bf: {  	v7 =	vld [tilespmem:$0xE0];
	[tilespmem:s15+$0xD0] =	vst v2  }
0x1c0: {  	[tilespmem:s14+$0x1B0] =	vst v3;
	v0 =	vadd.s32 s0, v0;
	v2 =	vld [tilespmem:$0xE0]  }
0x1c1: {  	v3 =	vadd.s32 s31, v4;
	v4 =	vadd.s32 s19, v5;
	v5 =	vld [tilespmem:$0x1C0]  }
0x1c2: {  	[tilespmem:s14+$0x420] =	vst v1  }
0x1c3: {  	v6 =	vadd.s32 s17, v6;
	v1 =	vld [tilespmem:$0x1F0]  }
0x1c4: {  	v7 =	vadd.s32 s16, v7  }
0x1c5: {  	v0 =	vld.idx.msk [tilespmem:v0+s10+$0x0], $0xffff;
	v2 =	vadd.s32 s18, v2  }
0x1c6: {  	v3 =	vld.idx.msk [tilespmem:v3+s10+$0x0], $0xffff;
	v5 =	vadd.s32 s30, v5  }
0x1c7: {  	v4 =	vld.idx.msk [tilespmem:v4+s10+$0x0], $0xffff  }
0x1c8: {  	v6 =	vld.idx.msk [tilespmem:v6+s10+$0x0], $0xffff;
	v1 =	vadd.s32 s24, v1  }
0x1c9: {  	v7 =	vld.idx.msk [tilespmem:v7+s10+$0x0], $0xffff  }
0x1ca: {  	v2 =	vld.idx.msk [tilespmem:v2+s10+$0x0], $0xffff  }
0x1cb: {  	[tilespmem:s14+$0xFFFFFD40] =	vst v0;
	v0 =	vld.idx.msk [tilespmem:v5+s10+$0x0], $0xffff  }
0x1cc: {  	[tilespmem:s15+$0x320] =	vst v4;
	v4 =	vld [tilespmem:$0x1D0]  }
0x1cd: {  	v1 =	vld.idx.msk [tilespmem:v1+s10+$0x0], $0xffff  }
0x1ce: {  	[tilespmem:s15+$0xFFFFFC60] =	vst v6;
	v5 =	vld [tilespmem:$0xF0]  }
0x1cf: {  	v6 =	vld [tilespmem:$0xF0]  }
0x1d0: {  	[tilespmem:s15+$0xFFFFFEA0] =	vst v7  }
0x1d1: {  	[tilespmem:s14+$0xFFFFFF80] =	vst v3;
	v7 =	vld [tilespmem:$0xF0]  }
0x1d2: {  	[tilespmem:s15+$0xE0] =	vst v2;
	v3 =	vadd.s32 s0, v4;
	v4 =	vld [tilespmem:$0x1D0]  }
0x1d3: {  	[tilespmem:s14+$0x1C0] =	vst v0;
	v2 =	vld [tilespmem:$0xF0]  }
0x1d4: {  	[tilespmem:s14+$0x430] =	vst v1;
	v0 =	vadd.s32 s19, v5;
	v5 =	vadd.s32 s17, v6;
	v6 =	vld [tilespmem:$0x1D0]  }
0x1d5: {  	v1 =	vld [tilespmem:$0x200]  }
0x1d6: {  	v7 =	vadd.s32 s16, v7  }
0x1d7: {  	v8 =	vld [tilespmem:$0x0];
	v4 =	vadd.s32 s31, v4  }
0x1d8: {  	v3 =	vld.idx.msk [tilespmem:v3+s10+$0x0], $0xffff;
	v2 =	vadd.s32 s18, v2  }
0x1d9: {  	v0 =	vld.idx.msk [tilespmem:v0+s10+$0x0], $0xffff;
	v6 =	vadd.s32 s30, v6  }
0x1da: {  	v5 =	vld.idx.msk [tilespmem:v5+s10+$0x0], $0xffff;
	v1 =	vadd.s32 s24, v1  }
0x1db: {  	v7 =	vld.idx.msk [tilespmem:v7+s10+$0x0], $0xffff  }
0x1dc: {  	v4 =	vld.idx.msk [tilespmem:v4+s10+$0x0], $0xffff  }
0x1dd: {  	v2 =	vld.idx.msk [tilespmem:v2+s10+$0x0], $0xffff  }
0x1de: {  	[tilespmem:s15+$0x330] =	vst v0;
	v0 =	vld.idx.msk [tilespmem:v6+s10+$0x0], $0xffff  }
0x1df: {  	v1 =	vld.idx.msk [tilespmem:v1+s10+$0x0], $0xffff  }
0x1e0: {  	[tilespmem:s15+$0xFFFFFC70] =	vst v5;
	v5 =	vld [tilespmem:$0x100]  }
0x1e1: {  	[tilespmem:s14+$0xFFFFFD50] =	vst v3;
	v6 =	vld [tilespmem:$0x100]  }
0x1e2: {  	s22 =	simm.s32 $0x2400;
	[tilespmem:s15+$0xFFFFFEB0] =	vst v7  }
0x1e3: {  	v11 =	vadd.s32 s22, v8;
	v7 =	vld [tilespmem:$0x100];
	[tilespmem:s15+$0xF0] =	vst v2  }
0x1e4: {  	[tilespmem:s14+$0xFFFFFF90] =	vst v4;
	v2 =	vld [tilespmem:$0x100]  }
0x1e5: {  	v4 =	vld [tilespmem:$0x1E0];
	[tilespmem:s14+$0x440] =	vst v1;
	v3 =	vadd.s32 s19, v5  }
0x1e6: {  	v5 =	vadd.s32 s17, v6;
	v1 =	vld [tilespmem:$0x210]  }
0x1e7: {  	v9 =	vld [tilespmem:$0x0]  }
0x1e8: {  	v11 =	vld.idx.msk [tilespmem:v11+s10+$0x0], $0xffff;
	v6 =	vadd.s32 s16, v7  }
0x1e9: {  	[tilespmem:s14+$0x1D0] =	vst v0;
	v0 =	vld [tilespmem:$0x1E0];
	v2 =	vadd.s32 s18, v2  }
0x1ea: {  	v4 =	vadd.s32 s0, v4;
	v3 =	vld.idx.msk [tilespmem:v3+s10+$0x0], $0xffff  }
0x1eb: {  	v5 =	vld.idx.msk [tilespmem:v5+s10+$0x0], $0xffff;
	v1 =	vadd.s32 s24, v1  }
0x1ec: {  	v7 =	vld [tilespmem:$0x1E0]  }
0x1ed: {  	v6 =	vld.idx.msk [tilespmem:v6+s10+$0x0], $0xffff  }
0x1ee: {  	v2 =	vld.idx.msk [tilespmem:v2+s10+$0x0], $0xffff  }
0x1ef: {  	[tilespmem:s15+$0x340] =	vst v3;
	v3 =	vld.idx.msk [tilespmem:v4+s10+$0x0], $0xffff  }
0x1f0: {  	v0 =	vadd.s32 s31, v0;
	[tilespmem:s15+$0xFFFFFC80] =	vst v5;
	v1 =	vld.idx.msk [tilespmem:v1+s10+$0x0], $0xffff  }
0x1f1: {  	v5 =	vadd.s32 s30, v7;
	v7 =	vld [tilespmem:$0x110]  }
0x1f2: {  	v4 =	vld [tilespmem:$0x110]  }
0x1f3: {  	s28 =	simm.s32 $0x2C00;
	[tilespmem:s15+$0xFFFFFEC0] =	vst v6  }
0x1f4: {  	s20 =	simm.s32 $0x2000;
	v6 =	vadd.s32 s28, v9;
	v9 =	vld [tilespmem:$0x110];
	[tilespmem:s15+$0x100] =	vst v2  }
0x1f5: {  	v2 =	vld.idx.msk [tilespmem:v0+s10+$0x0], $0xffff;
	[tilespmem:s14+$0x450] =	vst v1;
	v1 =	vadd.s32 s20, v8  }
0x1f6: {  	s21 =	simm.s32 $0x11900;
	v0 =	vld [tilespmem:$0x110];
	v7 =	vadd.s32 s17, v7  }
0x1f7: {  	s23 =	simm.s32 $0x2800;
	[tilespmem:s21+$0xFFFFFDC0] =	vst v11;
	v4 =	vadd.s32 s19, v4;
	v10 =	vld [tilespmem:$0x220]  }
0x1f8: {  	v11 =	vld [tilespmem:$0x10];
	v8 =	vadd.s32 s23, v8  }
0x1f9: {  	v6 =	vld.idx.msk [tilespmem:v6+s10+$0x0], $0xffff;
	v9 =	vadd.s32 s16, v9  }
0x1fa: {  	v1 =	vld.idx.msk [tilespmem:v1+s10+$0x0], $0xffff  }
0x1fb: {  	v7 =	vld.idx.msk [tilespmem:v7+s10+$0x0], $0xffff;
	v0 =	vadd.s32 s18, v0  }
0x1fc: {  	v4 =	vld.idx.msk [tilespmem:v4+s10+$0x0], $0xffff;
	v10 =	vadd.s32 s24, v10  }
0x1fd: {  	v8 =	vld.idx.msk [tilespmem:v8+s10+$0x0], $0xffff  }
0x1fe: {  	[tilespmem:s21+$0x240] =	vst v6;
	v9 =	vld.idx.msk [tilespmem:v9+s10+$0x0], $0xffff  }
0x1ff: {  	[tilespmem:s21+$0xFFFFFB80] =	vst v1;
	v1 =	vld [tilespmem:$0x10]  }
0x200: {  	[tilespmem:s15+$0xFFFFFC90] =	vst v7;
	v7 =	vadd.s32 s22, v11;
	v11 =	vld.idx.msk [tilespmem:v0+s10+$0x0], $0xffff  }
0x201: {  	v6 =	vld.idx.msk [tilespmem:v10+s10+$0x0], $0xffff  }
0x202: {  	[tilespmem:s15+$0x350] =	vst v4;
	v10 =	vld [tilespmem:$0x10]  }
0x203: {  	[tilespmem:s21+$0x0] =	vst v8;
	v4 =	vld [tilespmem:$0x120]  }
0x204: {  	v8 =	vld [tilespmem:$0x10]  }
0x205: {  	v5 =	vld.idx.msk [tilespmem:v5+s10+$0x0], $0xffff;
	[tilespmem:s14+$0xFFFFFD60] =	vst v3  }
0x206: {  	[tilespmem:s15+$0xFFFFFED0] =	vst v9;
	v3 =	vld [tilespmem:$0x120];
	v1 =	vadd.s32 s28, v1  }
0x207: {  	v9 =	vld [tilespmem:$0x120];
	[tilespmem:s14+$0x460] =	vst v6;
	v6 =	vadd.s32 s20, v10  }
0x208: {  	v7 =	vld.idx.msk [tilespmem:v7+s10+$0x0], $0xffff;
	v0 =	vadd.s32 s19, v4  }
0x209: {  	[tilespmem:s15+$0x110] =	vst v11;
	v4 =	vadd.s32 s23, v8;
	v10 =	vld [tilespmem:$0x230]  }
0x20a: {  	v11 =	vld [tilespmem:$0x120]  }
0x20b: {  	v3 =	vadd.s32 s17, v3;
	v1 =	vld.idx.msk [tilespmem:v1+s10+$0x0], $0xffff  }
0x20c: {  	s12 =	simm.s32 $0x1440;
	v6 =	vld.idx.msk [tilespmem:v6+s10+$0x0], $0xffff  }
0x20d: {  	s26 =	sor.u32 $0x50, s12;
	v12 =	vld.idx.msk [tilespmem:v0+s10+$0x0], $0xffff  }
0x20e: {  	s29 =	simm.s32 $0x18C0;
	[tilespmem:s26+$0x10280] =	vst v7;
	v4 =	vld.idx.msk [tilespmem:v4+s10+$0x0], $0xffff;
	v10 =	vadd.s32 s24, v10  }
0x20f: {  	v7 =	vld [tilespmem:$0x20];
	s24 =	sor.u32 $0x50, s29  }
0x210: {  	v3 =	vld.idx.msk [tilespmem:v3+s10+$0x0], $0xffff;
	[tilespmem:s24+$0x10280] =	vst v1  }
0x211: {  	[tilespmem:s21+$0xFFFFFB90] =	vst v6;
	v1 =	vld [tilespmem:$0x20]  }
0x212: {  	v6 =	vld [tilespmem:$0x20]  }
0x213: {  	v11 =	vadd.s32 s18, v11;
	[tilespmem:s15+$0x360] =	vst v12;
	v0 =	vld.idx.msk [tilespmem:v10+s10+$0x0], $0xffff  }
0x214: {  	[tilespmem:s21+$0x10] =	vst v4;
	v4 =	vadd.s32 s16, v9;
	v9 =	vld [tilespmem:$0x130]  }
0x215: {  	v10 =	vld [tilespmem:$0x20]  }
0x216: {  	v1 =	vadd.s32 s28, v1  }
0x217: {  	[tilespmem:s14+$0xFFFFFFA0] =	vst v2;
	v8 =	vld [tilespmem:$0x1F0];
	v2 =	vadd.s32 s20, v6  }
0x218: {  	[tilespmem:s15+$0xFFFFFCA0] =	vst v3;
	v3 =	vld.idx.msk [tilespmem:v11+s10+$0x0], $0xffff;
	v6 =	vadd.s32 s22, v7  }
0x219: {  	[tilespmem:s14+$0x1E0] =	vst v5;
	v4 =	vld.idx.msk [tilespmem:v4+s10+$0x0], $0xffff;
	v5 =	vadd.s32 s19, v9  }
0x21a: {  	v7 =	vld [tilespmem:$0x1F0];
	v9 =	vadd.s32 s23, v10  }
0x21b: {  	v1 =	vld.idx.msk [tilespmem:v1+s10+$0x0], $0xffff  }
0x21c: {  	v2 =	vld.idx.msk [tilespmem:v2+s10+$0x0], $0xffff  }
0x21d: {  	v6 =	vld.idx.msk [tilespmem:v6+s10+$0x0], $0xffff  }
0x21e: {  	v5 =	vld.idx.msk [tilespmem:v5+s10+$0x0], $0xffff  }
0x21f: {  	[tilespmem:s15+$0xFFFFFEE0] =	vst v4;
	v9 =	vld.idx.msk [tilespmem:v9+s10+$0x0], $0xffff  }
0x220: {  	s25 =	sor.u32 $0x60, s29;
	[tilespmem:s15+$0x120] =	vst v3;
	v3 =	vld [tilespmem:$0x130]  }
0x221: {  	[tilespmem:s25+$0x10280] =	vst v1;
	v1 =	vld [tilespmem:$0x130]  }
0x222: {  	[tilespmem:s21+$0xFFFFFBA0] =	vst v2;
	v2 =	vld [tilespmem:$0x30]  }
0x223: {  	s4 =	sor.u32 $0x60, s12;
	v11 =	vld [tilespmem:$0x30]  }
0x224: {  	[tilespmem:s4+$0x10280] =	vst v6  }
0x225: {  	v6 =	vadd.s32 s0, v8;
	[tilespmem:s15+$0x370] =	vst v5;
	v8 =	vld [tilespmem:$0x30]  }
0x226: {  	v5 =	vadd.s32 s31, v7;
	[tilespmem:s21+$0x20] =	vst v9;
	v3 =	vadd.s32 s16, v3;
	v7 =	vld [tilespmem:$0x140]  }
0x227: {  	v4 =	vld [tilespmem:$0x30];
	v1 =	vadd.s32 s17, v1  }
0x228: {  	v2 =	vadd.s32 s28, v2;
	v9 =	vadd.s32 s20, v11;
	v11 =	vld [tilespmem:$0x130];
	_ =	sdelay $0x1  }
0x229: {  	v10 =	vld [tilespmem:$0x1F0];
	v8 =	vadd.s32 s22, v8  }
0x22a: {  	v3 =	vld.idx.msk [tilespmem:v3+s10+$0x0], $0xffff;
	v7 =	vadd.s32 s19, v7  }
0x22b: {  	v4 =	vadd.s32 s23, v4;
	v1 =	vld.idx.msk [tilespmem:v1+s10+$0x0], $0xffff  }
0x22c: {  	v2 =	vld.idx.msk [tilespmem:v2+s10+$0x0], $0xffff;
	v11 =	vadd.s32 s18, v11  }
0x22d: {  	v9 =	vld.idx.msk [tilespmem:v9+s10+$0x0], $0xffff  }
0x22e: {  	v8 =	vld.idx.msk [tilespmem:v8+s10+$0x0], $0xffff  }
0x22f: {  	v7 =	vld.idx.msk [tilespmem:v7+s10+$0x0], $0xffff  }
0x230: {  	s26 =	sor.u32 $0x70, s29;
	v4 =	vld.idx.msk [tilespmem:v4+s10+$0x0], $0xffff  }
0x231: {  	[tilespmem:s26+$0x10280] =	vst v2;
	v2 =	vld.idx.msk [tilespmem:v11+s10+$0x0], $0xffff  }
0x232: {  	s6 =	sor.u32 $0x70, s12;
	[tilespmem:s21+$0xFFFFFBB0] =	vst v9;
	v9 =	vld [tilespmem:$0x40]  }
0x233: {  	[tilespmem:s6+$0x10280] =	vst v8;
	v11 =	vld [tilespmem:$0x40]  }
0x234: {  	[tilespmem:s15+$0x380] =	vst v7;
	v8 =	vld [tilespmem:$0x40]  }
0x235: {  	[tilespmem:s21+$0x30] =	vst v4;
	v4 =	vld [tilespmem:$0x150]  }
0x236: {  	[tilespmem:s15+$0xFFFFFCB0] =	vst v1;
	v1 =	vld [tilespmem:$0x40]  }
0x237: {  	[tilespmem:s15+$0xFFFFFEF0] =	vst v3;
	v3 =	vadd.s32 s28, v9;
	v9 =	vld [tilespmem:$0x140]  }
0x238: {  	v7 =	vadd.s32 s30, v10;
	v10 =	vld [tilespmem:$0x140];
	[tilespmem:s15+$0x130] =	vst v2;
	v2 =	vadd.s32 s20, v11  }
0x239: {  	v6 =	vld.idx.msk [tilespmem:v6+s10+$0x0], $0xffff;
	v8 =	vadd.s32 s22, v8  }
0x23a: {  	v5 =	vld.idx.msk [tilespmem:v5+s10+$0x0], $0xffff;
	v4 =	vadd.s32 s19, v4  }
0x23b: {  	v11 =	vld [tilespmem:$0x140];
	v1 =	vadd.s32 s23, v1  }
0x23c: {  	v3 =	vld.idx.msk [tilespmem:v3+s10+$0x0], $0xffff;
	v9 =	vadd.s32 s17, v9  }
0x23d: {  	v10 =	vadd.s32 s16, v10;
	v2 =	vld.idx.msk [tilespmem:v2+s10+$0x0], $0xffff  }
0x23e: {  	v8 =	vld.idx.msk [tilespmem:v8+s10+$0x0], $0xffff  }
0x23f: {  	v4 =	vld.idx.msk [tilespmem:v4+s10+$0x0], $0xffff  }
0x240: {  	v1 =	vld.idx.msk [tilespmem:v1+s10+$0x0], $0xffff  }
0x241: {  	v9 =	vld.idx.msk [tilespmem:v9+s10+$0x0], $0xffff  }
0x242: {  	[tilespmem:s21+$0x280] =	vst v3;
	v3 =	vld.idx.msk [tilespmem:v10+s10+$0x0], $0xffff  }
0x243: {  	v10 =	vadd.s32 s18, v11;
	[tilespmem:s21+$0xFFFFFBC0] =	vst v2;
	v2 =	vld [tilespmem:$0x50]  }
0x244: {  	[tilespmem:s21+$0xFFFFFE00] =	vst v8;
	v11 =	vld [tilespmem:$0x50]  }
0x245: {  	[tilespmem:s15+$0x390] =	vst v4;
	v8 =	vld [tilespmem:$0x50]  }
0x246: {  	[tilespmem:s21+$0x40] =	vst v1;
	v1 =	vld [tilespmem:$0x160]  }
0x247: {  	v4 =	vld [tilespmem:$0x50]  }
0x248: {  	[tilespmem:s15+$0xFFFFFCC0] =	vst v9;
	v9 =	vld.idx.msk [tilespmem:v10+s10+$0x0], $0xffff;
	v2 =	vadd.s32 s28, v2  }
0x249: {  	[tilespmem:s14+$0xFFFFFD70] =	vst v6;
	v6 =	vld.idx.msk [tilespmem:v7+s10+$0x0], $0xffff  }
0x24a: {  	[tilespmem:s15+$0xFFFFFF00] =	vst v3;
	v10 =	vld [tilespmem:$0x150];
	v3 =	vadd.s32 s20, v11  }
0x24b: {  	[tilespmem:s14+$0xFFFFFFB0] =	vst v5;
	v7 =	vld [tilespmem:$0x200];
	v5 =	vadd.s32 s22, v8  }
0x24c: {  	v8 =	vld [tilespmem:$0x150];
	v1 =	vadd.s32 s19, v1  }
0x24d: {  	v4 =	vadd.s32 s23, v4;
	[tilespmem:s15+$0x140] =	vst v9;
	v2 =	vld.idx.msk [tilespmem:v2+s10+$0x0], $0xffff  }
0x24e: {  	v9 =	vld [tilespmem:$0x150]  }
0x24f: {  	v10 =	vadd.s32 s17, v10;
	v3 =	vld.idx.msk [tilespmem:v3+s10+$0x0], $0xffff  }
0x250: {  	v5 =	vld.idx.msk [tilespmem:v5+s10+$0x0], $0xffff  }
0x251: {  	v1 =	vld.idx.msk [tilespmem:v1+s10+$0x0], $0xffff  }
0x252: {  	[tilespmem:s14+$0x1F0] =	vst v6;
	v4 =	vld.idx.msk [tilespmem:v4+s10+$0x0], $0xffff  }
0x253: {  	v6 =	vld [tilespmem:$0x200];
	[tilespmem:s21+$0x290] =	vst v2  }
0x254: {  	v2 =	vld.idx.msk [tilespmem:v10+s10+$0x0], $0xffff;
	[tilespmem:s21+$0xFFFFFBD0] =	vst v3  }
0x255: {  	v8 =	vadd.s32 s16, v8;
	v3 =	vld [tilespmem:$0x60];
	[tilespmem:s21+$0xFFFFFE10] =	vst v5  }
0x256: {  	[tilespmem:s15+$0x3A0] =	vst v1;
	v1 =	vadd.s32 s18, v9;
	v10 =	vld [tilespmem:$0x60]  }
0x257: {  	v5 =	vadd.s32 s0, v7;
	[tilespmem:s21+$0x50] =	vst v4;
	v7 =	vld [tilespmem:$0x60]  }
0x258: {  	v9 =	vld [tilespmem:$0x60]  }
0x259: {  	v4 =	vld [tilespmem:$0x170]  }
0x25a: {  	[tilespmem:s15+$0xFFFFFCD0] =	vst v2;
	v2 =	vld.idx.msk [tilespmem:v8+s10+$0x0], $0xffff;
	v3 =	vadd.s32 s28, v3  }
0x25b: {  	v1 =	vld.idx.msk [tilespmem:v1+s10+$0x0], $0xffff  }
0x25c: {  	v11 =	vld [tilespmem:$0x200];
	v8 =	vadd.s32 s20, v10  }
0x25d: {  	v10 =	vld [tilespmem:$0x160];
	v9 =	vadd.s32 s23, v9  }
0x25e: {  	v5 =	vld.idx.msk [tilespmem:v5+s10+$0x0], $0xffff;
	v7 =	vadd.s32 s22, v7  }
0x25f: {  	v4 =	vadd.s32 s19, v4;
	[tilespmem:s15+$0xFFFFFF10] =	vst v2;
	v3 =	vld.idx.msk [tilespmem:v3+s10+$0x0], $0xffff  }
0x260: {  	[tilespmem:s15+$0x150] =	vst v1;
	v1 =	vld [tilespmem:$0x160]  }
0x261: {  	v8 =	vld.idx.msk [tilespmem:v8+s10+$0x0], $0xffff  }
0x262: {  	v2 =	vld.idx.msk [tilespmem:v9+s10+$0x0], $0xffff;
	v9 =	vadd.s32 s17, v10  }
0x263: {  	v7 =	vld.idx.msk [tilespmem:v7+s10+$0x0], $0xffff  }
0x264: {  	v4 =	vld.idx.msk [tilespmem:v4+s10+$0x0], $0xffff  }
0x265: {  	[tilespmem:s21+$0x2A0] =	vst v3;
	v3 =	vld [tilespmem:$0x160]  }
0x266: {  	[tilespmem:s21+$0xFFFFFBE0] =	vst v8;
	v8 =	vld [tilespmem:$0x70]  }
0x267: {  	v1 =	vadd.s32 s16, v1;
	v9 =	vld.idx.msk [tilespmem:v9+s10+$0x0], $0xffff  }
0x268: {  	v10 =	vadd.s32 s30, v11;
	[tilespmem:s21+$0xFFFFFE20] =	vst v7;
	v11 =	vld [tilespmem:$0x70]  }
0x269: {  	[tilespmem:s15+$0x3B0] =	vst v4;
	v7 =	vld [tilespmem:$0x70]  }
0x26a: {  	v6 =	vadd.s32 s31, v6;
	[tilespmem:s21+$0x60] =	vst v2;
	v2 =	vld [tilespmem:$0x180]  }
0x26b: {  	v4 =	vld [tilespmem:$0x70];
	v3 =	vadd.s32 s18, v3  }
0x26c: {  	v1 =	vld.idx.msk [tilespmem:v1+s10+$0x0], $0xffff  }
0x26d: {  	v8 =	vadd.s32 s28, v8  }
0x26e: {  	[tilespmem:s14+$0xFFFFFD80] =	vst v5;
	v5 =	vadd.s32 s20, v11  }
0x26f: {  	v6 =	vld.idx.msk [tilespmem:v6+s10+$0x0], $0xffff;
	v7 =	vadd.s32 s22, v7  }
0x270: {  	[tilespmem:s15+$0xFFFFFCE0] =	vst v9;
	v2 =	vadd.s32 s19, v2;
	v3 =	vld.idx.msk [tilespmem:v3+s10+$0x0], $0xffff  }
0x271: {  	v4 =	vadd.s32 s23, v4;
	[tilespmem:s15+$0xFFFFFF20] =	vst v1;
	v1 =	vld [tilespmem:$0x170]  }
0x272: {  	v8 =	vld.idx.msk [tilespmem:v8+s10+$0x0], $0xffff  }
0x273: {  	v5 =	vld.idx.msk [tilespmem:v5+s10+$0x0], $0xffff  }
0x274: {  	v7 =	vld.idx.msk [tilespmem:v7+s10+$0x0], $0xffff  }
0x275: {  	v2 =	vld.idx.msk [tilespmem:v2+s10+$0x0], $0xffff  }
0x276: {  	v4 =	vld.idx.msk [tilespmem:v4+s10+$0x0], $0xffff;
	[tilespmem:s15+$0x160] =	vst v3  }
0x277: {  	[tilespmem:s21+$0x2B0] =	vst v8;
	v8 =	vld [tilespmem:$0x170]  }
0x278: {  	[tilespmem:s14+$0xFFFFFFC0] =	vst v6;
	v6 =	vld [tilespmem:$0x170]  }
0x279: {  	v1 =	vadd.s32 s17, v1;
	[tilespmem:s21+$0xFFFFFBF0] =	vst v5;
	v5 =	vld [tilespmem:$0x80]  }
0x27a: {  	[tilespmem:s21+$0xFFFFFE30] =	vst v7;
	v9 =	vld [tilespmem:$0x80]  }
0x27b: {  	[tilespmem:s15+$0x3C0] =	vst v2;
	v7 =	vld [tilespmem:$0x80]  }
0x27c: {  	[tilespmem:s21+$0x70] =	vst v4;
	v2 =	vld [tilespmem:$0x190]  }
0x27d: {  	v3 =	vld [tilespmem:$0x80];
	v4 =	vadd.s32 s16, v8  }
0x27e: {  	v1 =	vld.idx.msk [tilespmem:v1+s10+$0x0], $0xffff;
	v6 =	vadd.s32 s18, v6  }
0x27f: {  	v10 =	vld.idx.msk [tilespmem:v10+s10+$0x0], $0xffff;
	v5 =	vadd.s32 s28, v5  }
0x280: {  	v11 =	vld [tilespmem:$0x210];
	v8 =	vadd.s32 s20, v9  }
0x281: {  	v9 =	vld [tilespmem:$0x210];
	v7 =	vadd.s32 s22, v7  }
0x282: {  	v2 =	vadd.s32 s19, v2;
	v4 =	vld.idx.msk [tilespmem:v4+s10+$0x0], $0xffff  }
0x283: {  	v3 =	vadd.s32 s23, v3;
	[tilespmem:s15+$0xFFFFFCF0] =	vst v1;
	v1 =	vld.idx.msk [tilespmem:v6+s10+$0x0], $0xffff  }
0x284: {  	v5 =	vld.idx.msk [tilespmem:v5+s10+$0x0], $0xffff  }
0x285: {  	v8 =	vld.idx.msk [tilespmem:v8+s10+$0x0], $0xffff  }
0x286: {  	v7 =	vld.idx.msk [tilespmem:v7+s10+$0x0], $0xffff  }
0x287: {  	v2 =	vld.idx.msk [tilespmem:v2+s10+$0x0], $0xffff  }
0x288: {  	v3 =	vld.idx.msk [tilespmem:v3+s10+$0x0], $0xffff  }
0x289: {  	[tilespmem:s21+$0x2C0] =	vst v5;
	v5 =	vld [tilespmem:$0x180]  }
0x28a: {  	s7 =	sor.u32 $0xC0, s12;
	[tilespmem:s21+$0xFFFFFC00] =	vst v8;
	v6 =	vld [tilespmem:$0x90]  }
0x28b: {  	[tilespmem:s7+$0x10280] =	vst v7;
	v7 =	vld [tilespmem:$0x90]  }
0x28c: {  	v8 =	vadd.s32 s0, v11;
	[tilespmem:s8+$0x10400] =	vst v2;
	v11 =	vld [tilespmem:$0x90]  }
0x28d: {  	[tilespmem:s21+$0x80] =	vst v3;
	v3 =	vld [tilespmem:$0x1A0]  }
0x28e: {  	[tilespmem:s15+$0xFFFFFF30] =	vst v4;
	v4 =	vld [tilespmem:$0x90];
	v5 =	vadd.s32 s17, v5  }
0x28f: {  	[tilespmem:s15+$0x170] =	vst v1;
	v1 =	vadd.s32 s28, v6;
	v6 =	vld [tilespmem:$0x180]  }
0x290: {  	[tilespmem:s14+$0x200] =	vst v10;
	v2 =	vadd.s32 s31, v9;
	v9 =	vld [tilespmem:$0x180];
	v7 =	vadd.s32 s20, v7  }
0x291: {  	v10 =	vld [tilespmem:$0x210];
	v11 =	vadd.s32 s22, v11  }
0x292: {  	v8 =	vld.idx.msk [tilespmem:v8+s10+$0x0], $0xffff;
	v3 =	vadd.s32 s19, v3  }
0x293: {  	v4 =	vadd.s32 s23, v4;
	v5 =	vld.idx.msk [tilespmem:v5+s10+$0x0], $0xffff  }
0x294: {  	v1 =	vld.idx.msk [tilespmem:v1+s10+$0x0], $0xffff;
	v6 =	vadd.s32 s16, v6  }
0x295: {  	v9 =	vadd.s32 s18, v9;
	v7 =	vld.idx.msk [tilespmem:v7+s10+$0x0], $0xffff  }
0x296: {  	v11 =	vld.idx.msk [tilespmem:v11+s10+$0x0], $0xffff  }
0x297: {  	v3 =	vld.idx.msk [tilespmem:v3+s10+$0x0], $0xffff  }
0x298: {  	v4 =	vld.idx.msk [tilespmem:v4+s10+$0x0], $0xffff  }
0x299: {  	v6 =	vld.idx.msk [tilespmem:v6+s10+$0x0], $0xffff  }
0x29a: {  	[tilespmem:s24+$0x10300] =	vst v1;
	v1 =	vld.idx.msk [tilespmem:v9+s10+$0x0], $0xffff  }
0x29b: {  	s8 =	sor.u32 $0xD0, s12;
	[tilespmem:s21+$0xFFFFFC10] =	vst v7;
	v7 =	vld [tilespmem:$0xA0]  }
0x29c: {  	[tilespmem:s8+$0x10280] =	vst v11;
	v9 =	vld [tilespmem:$0xA0]  }
0x29d: {  	[tilespmem:s5+$0x10400] =	vst v3;
	v11 =	vld [tilespmem:$0xA0]  }
0x29e: {  	v3 =	vadd.s32 s30, v10;
	[tilespmem:s21+$0x90] =	vst v4;
	v4 =	vld [tilespmem:$0x1B0]  }
0x29f: {  	[tilespmem:s15+$0xFFFFFD00] =	vst v5;
	v5 =	vld [tilespmem:$0xA0]  }
0x2a0: {  	[tilespmem:s15+$0xFFFFFF40] =	vst v6;
	v6 =	vadd.s32 s28, v7;
	v7 =	vld [tilespmem:$0x190]  }
0x2a1: {  	[tilespmem:s15+$0x180] =	vst v1;
	v1 =	vadd.s32 s20, v9;
	v9 =	vld [tilespmem:$0x190]  }
0x2a2: {  	v2 =	vld.idx.msk [tilespmem:v2+s10+$0x0], $0xffff;
	v10 =	vadd.s32 s22, v11  }
0x2a3: {  	v3 =	vld.idx.msk [tilespmem:v3+s10+$0x0], $0xffff;
	v4 =	vadd.s32 s19, v4  }
0x2a4: {  	v11 =	vld [tilespmem:$0x190];
	v5 =	vadd.s32 s23, v5  }
0x2a5: {  	v6 =	vld.idx.msk [tilespmem:v6+s10+$0x0], $0xffff;
	v7 =	vadd.s32 s17, v7  }
0x2a6: {  	v1 =	vld.idx.msk [tilespmem:v1+s10+$0x0], $0xffff;
	v9 =	vadd.s32 s16, v9  }
0x2a7: {  	v10 =	vld.idx.msk [tilespmem:v10+s10+$0x0], $0xffff  }
0x2a8: {  	v4 =	vld.idx.msk [tilespmem:v4+s10+$0x0], $0xffff  }
0x2a9: {  	v5 =	vld.idx.msk [tilespmem:v5+s10+$0x0], $0xffff  }
0x2aa: {  	v7 =	vld.idx.msk [tilespmem:v7+s10+$0x0], $0xffff  }
0x2ab: {  	[tilespmem:s25+$0x10300] =	vst v6;
	v6 =	vld.idx.msk [tilespmem:v9+s10+$0x0], $0xffff  }
0x2ac: {  	s11 =	sor.u32 $0xE0, s12;
	[tilespmem:s21+$0xFFFFFC20] =	vst v1;
	v1 =	vld [tilespmem:$0xB0]  }
0x2ad: {  	[tilespmem:s11+$0x10280] =	vst v10;
	v10 =	vld [tilespmem:$0xB0]  }
0x2ae: {  	v9 =	vadd.s32 s18, v11;
	[tilespmem:s1+$0x10400] =	vst v4;
	v4 =	vld [tilespmem:$0xB0]  }
0x2af: {  	[tilespmem:s21+$0xA0] =	vst v5;
	v5 =	vld [tilespmem:$0x1C0]  }
0x2b0: {  	[tilespmem:s14+$0xFFFFFD90] =	vst v8;
	v11 =	vld [tilespmem:$0xB0]  }
0x2b1: {  	[tilespmem:s14+$0xFFFFFFD0] =	vst v2;
	v1 =	vadd.s32 s28, v1  }
0x2b2: {  	v8 =	vld [tilespmem:$0x220];
	[tilespmem:s15+$0xFFFFFF50] =	vst v6;
	v6 =	vadd.s32 s20, v10  }
0x2b3: {  	[tilespmem:s15+$0xFFFFFD10] =	vst v7;
	v7 =	vld.idx.msk [tilespmem:v9+s10+$0x0], $0xffff;
	v2 =	vadd.s32 s22, v4  }
0x2b4: {  	[tilespmem:s14+$0x210] =	vst v3;
	v9 =	vld [tilespmem:$0x1A0];
	v3 =	vadd.s32 s19, v5  }
0x2b5: {  	v4 =	vld [tilespmem:$0x1A0];
	v10 =	vadd.s32 s23, v11  }
0x2b6: {  	v1 =	vld.idx.msk [tilespmem:v1+s10+$0x0], $0xffff  }
0x2b7: {  	v6 =	vld.idx.msk [tilespmem:v6+s10+$0x0], $0xffff  }
0x2b8: {  	v8 =	vadd.s32 s0, v8;
	v2 =	vld.idx.msk [tilespmem:v2+s10+$0x0], $0xffff  }
0x2b9: {  	v9 =	vadd.s32 s17, v9;
	v3 =	vld.idx.msk [tilespmem:v3+s10+$0x0], $0xffff  }
0x2ba: {  	[tilespmem:s15+$0x190] =	vst v7;
	v7 =	vld.idx.msk [tilespmem:v10+s10+$0x0], $0xffff  }
0x2bb: {  	v10 =	vld [tilespmem:$0x1A0];
	_ =	sdelay $0x1  }
0x2bc: {  	v8 =	vld.idx.msk [tilespmem:v8+s10+$0x0], $0xffff;
	[tilespmem:s26+$0x10300] =	vst v1  }
0x2bd: {  	s12 =	sor.u32 $0xF0, s12;
	v1 =	vld.idx.msk [tilespmem:v9+s10+$0x0], $0xffff;
	[tilespmem:s21+$0xFFFFFC30] =	vst v6  }
0x2be: {  	v4 =	vadd.s32 s16, v4;
	v6 =	vld [tilespmem:$0xC0];
	[tilespmem:s12+$0x10280] =	vst v2  }
0x2bf: {  	[tilespmem:s15+$0x400] =	vst v3;
	v3 =	vadd.s32 s18, v10;
	v2 =	vld [tilespmem:$0xC0]  }
0x2c0: {  	[tilespmem:s21+$0xB0] =	vst v7;
	v9 =	vld [tilespmem:$0xC0]  }
0x2c1: {  	v10 =	vld [tilespmem:$0xC0]  }
0x2c2: {  	v7 =	vld [tilespmem:$0x1D0]  }
0x2c3: {  	[tilespmem:s15+$0xFFFFFD20] =	vst v1;
	v1 =	vld.idx.msk [tilespmem:v4+s10+$0x0], $0xffff;
	v6 =	vadd.s32 s28, v6  }
0x2c4: {  	v3 =	vld.idx.msk [tilespmem:v3+s10+$0x0], $0xffff  }
0x2c5: {  	v5 =	vld [tilespmem:$0x220];
	v2 =	vadd.s32 s20, v2  }
0x2c6: {  	v4 =	vld [tilespmem:$0x1B0];
	v10 =	vadd.s32 s23, v10  }
0x2c7: {  	v11 =	vld [tilespmem:$0x220];
	v9 =	vadd.s32 s22, v9  }
0x2c8: {  	v7 =	vadd.s32 s19, v7;
	[tilespmem:s15+$0xFFFFFF60] =	vst v1;
	v6 =	vld.idx.msk [tilespmem:v6+s10+$0x0], $0xffff  }
0x2c9: {  	[tilespmem:s15+$0x1A0] =	vst v3;
	v3 =	vld [tilespmem:$0x1B0]  }
0x2ca: {  	v2 =	vld.idx.msk [tilespmem:v2+s10+$0x0], $0xffff  }
0x2cb: {  	v4 =	vadd.s32 s17, v4;
	v1 =	vld.idx.msk [tilespmem:v10+s10+$0x0], $0xffff  }
0x2cc: {  	v9 =	vld.idx.msk [tilespmem:v9+s10+$0x0], $0xffff  }
0x2cd: {  	v7 =	vld.idx.msk [tilespmem:v7+s10+$0x0], $0xffff  }
0x2ce: {  	[tilespmem:s21+$0x300] =	vst v6;
	v6 =	vld [tilespmem:$0x1B0]  }
0x2cf: {  	[tilespmem:s21+$0xFFFFFC40] =	vst v2;
	v2 =	vld [tilespmem:$0xD0]  }
0x2d0: {  	v4 =	vld.idx.msk [tilespmem:v4+s10+$0x0], $0xffff;
	[tilespmem:s21+$0xC0] =	vst v1;
	v1 =	vadd.s32 s16, v3  }
0x2d1: {  	v5 =	vadd.s32 s31, v5;
	v10 =	vadd.s32 s30, v11;
	[tilespmem:s21+$0xFFFFFE80] =	vst v9;
	v11 =	vld [tilespmem:$0xD0]  }
0x2d2: {  	[tilespmem:s15+$0x410] =	vst v7;
	v9 =	vld [tilespmem:$0xD0]  }
0x2d3: {  	v3 =	vld [tilespmem:$0x1E0];
	v6 =	vadd.s32 s18, v6  }
0x2d4: {  	v7 =	vld [tilespmem:$0xD0];
	v2 =	vadd.s32 s28, v2  }
0x2d5: {  	v1 =	vld.idx.msk [tilespmem:v1+s10+$0x0], $0xffff  }
0x2d6: {  	[tilespmem:s14+$0xFFFFFDA0] =	vst v8;
	v5 =	vld.idx.msk [tilespmem:v5+s10+$0x0], $0xffff;
	v8 =	vadd.s32 s20, v11  }
0x2d7: {  	v10 =	vld.idx.msk [tilespmem:v10+s10+$0x0], $0xffff;
	v9 =	vadd.s32 s22, v9  }
0x2d8: {  	v3 =	vadd.s32 s19, v3;
	v6 =	vld.idx.msk [tilespmem:v6+s10+$0x0], $0xffff  }
0x2d9: {  	[tilespmem:s15+$0xFFFFFD30] =	vst v4;
	v7 =	vadd.s32 s23, v7;
	v2 =	vld.idx.msk [tilespmem:v2+s10+$0x0], $0xffff  }
0x2da: {  	[tilespmem:s15+$0xFFFFFF70] =	vst v1;
	v1 =	vld [tilespmem:$0x1C0]  }
0x2db: {  	v8 =	vld.idx.msk [tilespmem:v8+s10+$0x0], $0xffff  }
0x2dc: {  	v9 =	vld.idx.msk [tilespmem:v9+s10+$0x0], $0xffff  }
0x2dd: {  	v3 =	vld.idx.msk [tilespmem:v3+s10+$0x0], $0xffff  }
0x2de: {  	v4 =	vld.idx.msk [tilespmem:v7+s10+$0x0], $0xffff;
	[tilespmem:s15+$0x1B0] =	vst v6  }
0x2df: {  	[tilespmem:s21+$0x310] =	vst v2;
	v2 =	vld [tilespmem:$0x1C0]  }
0x2e0: {  	v6 =	vld [tilespmem:$0x1C0]  }
0x2e1: {  	v1 =	vadd.s32 s17, v1;
	[tilespmem:s21+$0xFFFFFC50] =	vst v8;
	v7 =	vld [tilespmem:$0xE0]  }
0x2e2: {  	[tilespmem:s21+$0xFFFFFE90] =	vst v9;
	v8 =	vld [tilespmem:$0xE0]  }
0x2e3: {  	[tilespmem:s15+$0x420] =	vst v3;
	v9 =	vld [tilespmem:$0xE0]  }
0x2e4: {  	[tilespmem:s21+$0xD0] =	vst v4;
	v3 =	vld [tilespmem:$0x1F0]  }
0x2e5: {  	v4 =	vld [tilespmem:$0xE0];
	v2 =	vadd.s32 s16, v2  }
0x2e6: {  	[tilespmem:s14+$0xFFFFFFE0] =	vst v5;
	v1 =	vld.idx.msk [tilespmem:v1+s10+$0x0], $0xffff;
	v6 =	vadd.s32 s18, v6  }
0x2e7: {  	[tilespmem:s14+$0x220] =	vst v10;
	v11 =	vld [tilespmem:$0x230];
	v5 =	vadd.s32 s28, v7  }
0x2e8: {  	v10 =	vld [tilespmem:$0x230];
	v7 =	vadd.s32 s20, v8  }
0x2e9: {  	v8 =	vld [tilespmem:$0x230];
	v9 =	vadd.s32 s22, v9  }
0x2ea: {  	v3 =	vadd.s32 s19, v3;
	v2 =	vld.idx.msk [tilespmem:v2+s10+$0x0], $0xffff  }
0x2eb: {  	v4 =	vadd.s32 s23, v4;
	[tilespmem:s15+$0xFFFFFD40] =	vst v1;
	v1 =	vld.idx.msk [tilespmem:v6+s10+$0x0], $0xffff  }
0x2ec: {  	v5 =	vld.idx.msk [tilespmem:v5+s10+$0x0], $0xffff  }
0x2ed: {  	v7 =	vld.idx.msk [tilespmem:v7+s10+$0x0], $0xffff  }
0x2ee: {  	v9 =	vld.idx.msk [tilespmem:v9+s10+$0x0], $0xffff  }
0x2ef: {  	v3 =	vld.idx.msk [tilespmem:v3+s10+$0x0], $0xffff  }
0x2f0: {  	v4 =	vld.idx.msk [tilespmem:v4+s10+$0x0], $0xffff  }
0x2f1: {  	[tilespmem:s21+$0x320] =	vst v5;
	v5 =	vld [tilespmem:$0x1D0]  }
0x2f2: {  	[tilespmem:s21+$0xFFFFFC60] =	vst v7;
	v6 =	vld [tilespmem:$0xF0]  }
0x2f3: {  	[tilespmem:s21+$0xFFFFFEA0] =	vst v9;
	v7 =	vld [tilespmem:$0xF0]  }
0x2f4: {  	v9 =	vadd.s32 s0, v11;
	[tilespmem:s15+$0x430] =	vst v3;
	v11 =	vld [tilespmem:$0xF0]  }
0x2f5: {  	v3 =	vadd.s32 s31, v8;
	[tilespmem:s21+$0xE0] =	vst v4;
	v4 =	vld [tilespmem:$0x200]  }
0x2f6: {  	[tilespmem:s15+$0xFFFFFF80] =	vst v2;
	v2 =	vld [tilespmem:$0xF0];
	v5 =	vadd.s32 s17, v5  }
0x2f7: {  	[tilespmem:s15+$0x1C0] =	vst v1;
	v1 =	vadd.s32 s28, v6;
	v6 =	vld [tilespmem:$0x1D0]  }
0x2f8: {  	v8 =	vld [tilespmem:$0x1D0];
	v7 =	vadd.s32 s20, v7  }
0x2f9: {  	v9 =	vld.idx.msk [tilespmem:v9+s10+$0x0], $0xffff;
	v11 =	vadd.s32 s22, v11  }
0x2fa: {  	v63 =	vld.idx.msk [tilespmem:v3+s10+$0x0], $0xffff;
	v4 =	vadd.s32 s19, v4  }
0x2fb: {  	v2 =	vadd.s32 s23, v2;
	v3 =	vld.idx.msk [tilespmem:v5+s10+$0x0], $0xffff  }
0x2fc: {  	v1 =	vld.idx.msk [tilespmem:v1+s10+$0x0], $0xffff;
	v5 =	vadd.s32 s16, v6  }
0x2fd: {  	v6 =	vld.idx.msk [tilespmem:v7+s10+$0x0], $0xffff;
	v7 =	vadd.s32 s18, v8  }
0x2fe: {  	v8 =	vld.idx.msk [tilespmem:v11+s10+$0x0], $0xffff  }
0x2ff: {  	v4 =	vld.idx.msk [tilespmem:v4+s10+$0x0], $0xffff  }
0x300: {  	[tilespmem:s14+$0x470] =	vst v0;
	v0 =	vld.idx.msk [tilespmem:v2+s10+$0x0], $0xffff  }
0x301: {  	[tilespmem:s14+$0xFFFFFDB0] =	vst v9;
	v2 =	vld.idx.msk [tilespmem:v5+s10+$0x0], $0xffff  }
0x302: {  	[tilespmem:s21+$0x330] =	vst v1;
	v1 =	vld.idx.msk [tilespmem:v7+s10+$0x0], $0xffff  }
0x303: {  	[tilespmem:s21+$0xFFFFFC70] =	vst v6;
	v6 =	vld [tilespmem:$0x100]  }
0x304: {  	[tilespmem:s21+$0xFFFFFEB0] =	vst v8;
	v7 =	vld [tilespmem:$0x100]  }
0x305: {  	[tilespmem:s15+$0x440] =	vst v4;
	v8 =	vld [tilespmem:$0x100]  }
0x306: {  	v9 =	vadd.s32 s30, v10;
	[tilespmem:s21+$0xF0] =	vst v0;
	v0 =	vld [tilespmem:$0x210]  }
0x307: {  	[tilespmem:s15+$0xFFFFFD50] =	vst v3;
	v5 =	vld [tilespmem:$0x100]  }
0x308: {  	[tilespmem:s15+$0xFFFFFF90] =	vst v2;
	v2 =	vld [tilespmem:$0x1E0];
	v6 =	vadd.s32 s28, v6  }
0x309: {  	[tilespmem:s15+$0x1D0] =	vst v1;
	v3 =	vld [tilespmem:$0x1E0];
	v7 =	vadd.s32 s20, v7  }
0x30a: {  	v4 =	vld [tilespmem:$0x1E0];
	v8 =	vadd.s32 s22, v8  }
0x30b: {  	p1 =	por p0, p0;
	s0 =	simm.s32 $0x2C00;
	[tilespmem:s14+$0xFFFFFFF0] =	vst v63;
	s30 =	simm.s32 $0x8;
	v1 =	vadd.s32 s19, v0;
	v0 =	vld.idx.msk [tilespmem:v9+s10+$0x0], $0xffff  }
.LBB2_3:
0x30c: {  	v9 =	vld [tilespmem:$0x0];
	v5 =	vadd.s32 s23, v5  }
0x30d: {  	v6 =	vld.idx.msk [tilespmem:v6+s10+$0x0], $0xffff;
	v2 =	vadd.s32 s17, v2  }
0x30e: {  	v7 =	vld.idx.msk [tilespmem:v7+s10+$0x0], $0xffff;
	v3 =	vadd.s32 s16, v3  }
0x30f: {  	v8 =	vld.idx.msk [tilespmem:v8+s10+$0x0], $0xffff;
	v4 =	vadd.s32 s18, v4  }
0x310: {  	v1 =	vld.idx.msk [tilespmem:v1+s10+$0x0], $0xffff  }
0x311: {  	s30 =	sadd.s32 $0x4, s30;
	v10 =	vld [tilespmem:$0x0];
	[tilespmem:s14+$0x230] =	vst v0;
	s14 =	smov.u32 s15;
	s15 =	smov.u32 s21  }
0x312: {  	p0 =	slt.u32 s30, $0x3C;
	v0 =	vld.idx.msk [tilespmem:v5+s10+$0x0], $0xffff  }
0x313: {  	[tilespmem:s21+$0x340] =	vst v6;
	v2 =	vld.idx.msk [tilespmem:v2+s10+$0x0], $0xffff  }
0x314: {  	[tilespmem:s21+$0xFFFFFC80] =	vst v7;
	v5 =	vld [tilespmem:$0x110]  }
0x315: {  	s28 =	sadd.s32 $0x1000, s28;
	v6 =	vld [tilespmem:$0x110];
	[tilespmem:s21+$0xFFFFFEC0] =	vst v8  }
0x316: {  	s8 =	sadd.s32 $0xFFFFF400, s28;
	s5 =	sadd.s32 $0xFFFFF800, s28;
	s1 =	sadd.s32 $0xFFFFFC00, s28;
	v7 =	vadd.s32 s28, v10;
	v8 =	vld [tilespmem:$0x110];
	[tilespmem:s14+$0x450] =	vst v1  }
0x317: {  	v1 =	vadd.s32 s8, v9;
	v10 =	vadd.s32 s5, v9;
	v9 =	vadd.s32 s1, v9;
	v11 =	vld [tilespmem:$0x220]  }
0x318: {  	[tilespmem:s21+$0x100] =	vst v0;
	v0 =	vld.idx.msk [tilespmem:v3+s10+$0x0], $0xffff  }
0x319: {  	v3 =	vld [tilespmem:$0x110];
	v5 =	vadd.s32 s0, v5;
	[tilespmem:s14+$0xFFFFFD60] =	vst v2  }
0x31a: {  	v2 =	vadd.s32 s20, v6;
	v4 =	vld.idx.msk [tilespmem:v4+s10+$0x0], $0xffff  }
0x31b: {  	v6 =	vld.idx.msk [tilespmem:v7+s10+$0x0], $0xffff;
	v7 =	vadd.s32 s22, v8  }
0x31c: {  	v1 =	vld.idx.msk [tilespmem:v1+s10+$0x0], $0xffff;
	v8 =	vadd.s32 s19, v11  }
0x31d: {  	v10 =	vld.idx.msk [tilespmem:v10+s10+$0x0], $0xffff  }
0x31e: {  	v3 =	vadd.s32 s23, v3;
	v5 =	vld.idx.msk [tilespmem:v5+s10+$0x0], $0xffff;
	[tilespmem:s14+$0xFFFFFFA0] =	vst v0  }
0x31f: {  	v0 =	vld.idx.msk [tilespmem:v9+s10+$0x0], $0xffff  }
0x320: {  	s21 =	sadd.s32 $0x900, s21;
	v2 =	vld.idx.msk [tilespmem:v2+s10+$0x0], $0xffff;
	[tilespmem:s14+$0x1E0] =	vst v4  }
0x321: {  	[tilespmem:s21+$0x240] =	vst v6;
	v4 =	vld.idx.msk [tilespmem:v8+s10+$0x0], $0xffff  }
0x322: {  	[tilespmem:s21+$0xFFFFFB80] =	vst v1;
	v1 =	vld [tilespmem:$0x10]  }
0x323: {  	v6 =	vld [tilespmem:$0x10];
	[tilespmem:s21+$0xFFFFFDC0] =	vst v10  }
0x324: {  	v8 =	vld [tilespmem:$0x10];
	[tilespmem:s15+$0x350] =	vst v5  }
0x325: {  	[tilespmem:s21+$0x0] =	vst v0;
	v0 =	vld [tilespmem:$0x120]  }
0x326: {  	v5 =	vld [tilespmem:$0x10];
	[tilespmem:s15+$0xFFFFFC90] =	vst v2  }
0x327: {  	v1 =	vadd.s32 s28, v1;
	v2 =	vld.idx.msk [tilespmem:v7+s10+$0x0], $0xffff;
	[tilespmem:s14+$0x460] =	vst v4  }
0x328: {  	v4 =	vadd.s32 s8, v6;
	v6 =	vld [tilespmem:$0x230]  }
0x329: {  	v7 =	vadd.s32 s5, v8;
	v3 =	vld.idx.msk [tilespmem:v3+s10+$0x0], $0xffff  }
0x32a: {  	v8 =	vld [tilespmem:$0x120];
	v0 =	vadd.s32 s0, v0  }
0x32b: {  	v5 =	vadd.s32 s1, v5;
	v9 =	vld [tilespmem:$0x1F0]  }
0x32c: {  	v1 =	vld.idx.msk [tilespmem:v1+s10+$0x0], $0xffff  }
0x32d: {  	v4 =	vld.idx.msk [tilespmem:v4+s10+$0x0], $0xffff;
	[tilespmem:s15+$0xFFFFFED0] =	vst v2;
	v2 =	vadd.s32 s19, v6;
	s19 =	smov.u32 s0;
	s0 =	smov.u32 s28  }
0x32e: {  	v6 =	vld.idx.msk [tilespmem:v7+s10+$0x0], $0xffff  }
0x32f: {  	v7 =	vadd.s32 s20, v8;
	[tilespmem:s15+$0x110] =	vst v3;
	v0 =	vld.idx.msk [tilespmem:v0+s10+$0x0], $0xffff  }
0x330: {  	s29 =	sadd.s32 $0x900, s29;
	v3 =	vld.idx.msk [tilespmem:v5+s10+$0x0], $0xffff;
	v5 =	vadd.s32 s17, v9  }
0x331: {  	s6 =	sadd.s32 $0xFFFFFB80, s29;
	s2 =	sor.u32 $0x50, s29;
	v8 =	vld [tilespmem:$0x120]  }
0x332: {  	s31 =	sor.u32 $0x50, s6;
	s11 =	sor.u32 $0x60, s6;
	s4 =	sor.u32 $0x70, s6;
	[tilespmem:s2+$0x10280] =	vst v1;
	v1 =	vld.idx.msk [tilespmem:v2+s10+$0x0], $0xffff  }
0x333: {  	s7 =	sor.u32 $0xC0, s6;
	s3 =	sor.u32 $0xD0, s6;
	s12 =	sor.u32 $0xE0, s6;
	[tilespmem:s21+$0xFFFFFB90] =	vst v4;
	v2 =	vld [tilespmem:$0x20]  }
0x334: {  	v4 =	vld [tilespmem:$0x20];
	[tilespmem:s31+$0x10280] =	vst v6;
	s31 =	sor.u32 $0xF0, s6  }
0x335: {  	v6 =	vld [tilespmem:$0x20];
	[tilespmem:s15+$0x360] =	vst v0  }
0x336: {  	[tilespmem:s21+$0x10] =	vst v3;
	v0 =	vadd.s32 s22, v8;
	v3 =	vld [tilespmem:$0x130]  }
0x337: {  	v8 =	vld [tilespmem:$0x20]  }
0x338: {  	v2 =	vadd.s32 s28, v2;
	v9 =	vld [tilespmem:$0x120];
	[tilespmem:s14+$0x470] =	vst v1  }
0x339: {  	v1 =	vadd.s32 s8, v4;
	v4 =	vld.idx.msk [tilespmem:v7+s10+$0x0], $0xffff  }
0x33a: {  	v6 =	vadd.s32 s5, v6;
	v7 =	vld [tilespmem:$0x1F0]  }
0x33b: {  	v0 =	vld.idx.msk [tilespmem:v0+s10+$0x0], $0xffff;
	v3 =	vadd.s32 s19, v3  }
0x33c: {  	v8 =	vadd.s32 s1, v8;
	v10 =	vld [tilespmem:$0x1F0]  }
0x33d: {  	v2 =	vld.idx.msk [tilespmem:v2+s10+$0x0], $0xffff;
	v9 =	vadd.s32 s23, v9  }
0x33e: {  	v1 =	vld.idx.msk [tilespmem:v1+s10+$0x0], $0xffff  }
0x33f: {  	v6 =	vld.idx.msk [tilespmem:v6+s10+$0x0], $0xffff;
	[tilespmem:s15+$0xFFFFFCA0] =	vst v4;
	v4 =	vadd.s32 s16, v7  }
0x340: {  	v3 =	vld.idx.msk [tilespmem:v3+s10+$0x0], $0xffff  }
0x341: {  	v7 =	vld.idx.msk [tilespmem:v8+s10+$0x0], $0xffff;
	[tilespmem:s15+$0xFFFFFEE0] =	vst v0;
	v0 =	vadd.s32 s18, v10  }
0x342: {  	s6 =	sor.u32 $0x60, s29;
	v8 =	vld.idx.msk [tilespmem:v9+s10+$0x0], $0xffff  }
0x343: {  	[tilespmem:s6+$0x10280] =	vst v2;
	v2 =	vld [tilespmem:$0x130]  }
0x344: {  	[tilespmem:s21+$0xFFFFFBA0] =	vst v1;
	v1 =	vld [tilespmem:$0x30]  }
0x345: {  	v9 =	vld [tilespmem:$0x30];
	[tilespmem:s11+$0x10280] =	vst v6  }
0x346: {  	v6 =	vld [tilespmem:$0x30];
	[tilespmem:s15+$0x370] =	vst v3  }
0x347: {  	[tilespmem:s21+$0x20] =	vst v7;
	v3 =	vld [tilespmem:$0x140]  }
0x348: {  	v7 =	vld [tilespmem:$0x30];
	v2 =	vadd.s32 s20, v2;
	[tilespmem:s15+$0x120] =	vst v8  }
0x349: {  	v1 =	vadd.s32 s28, v1;
	v8 =	vld [tilespmem:$0x130]  }
0x34a: {  	v9 =	vadd.s32 s8, v9;
	v10 =	vld [tilespmem:$0x130]  }
0x34b: {  	v6 =	vadd.s32 s5, v6;
	v5 =	vld.idx.msk [tilespmem:v5+s10+$0x0], $0xffff  }
0x34c: {  	v3 =	vadd.s32 s19, v3;
	v4 =	vld.idx.msk [tilespmem:v4+s10+$0x0], $0xffff  }
0x34d: {  	v7 =	vadd.s32 s1, v7;
	v2 =	vld.idx.msk [tilespmem:v2+s10+$0x0], $0xffff  }
0x34e: {  	v1 =	vld.idx.msk [tilespmem:v1+s10+$0x0], $0xffff;
	v8 =	vadd.s32 s22, v8  }
0x34f: {  	v9 =	vld.idx.msk [tilespmem:v9+s10+$0x0], $0xffff;
	v10 =	vadd.s32 s23, v10  }
0x350: {  	v6 =	vld.idx.msk [tilespmem:v6+s10+$0x0], $0xffff  }
0x351: {  	v3 =	vld.idx.msk [tilespmem:v3+s10+$0x0], $0xffff;
	[tilespmem:s14+$0xFFFFFD70] =	vst v5  }
0x352: {  	v5 =	vld.idx.msk [tilespmem:v7+s10+$0x0], $0xffff;
	[tilespmem:s14+$0xFFFFFFB0] =	vst v4  }
0x353: {  	s11 =	sor.u32 $0x70, s29;
	[tilespmem:s15+$0xFFFFFCB0] =	vst v2;
	v2 =	vld.idx.msk [tilespmem:v8+s10+$0x0], $0xffff  }
0x354: {  	[tilespmem:s11+$0x10280] =	vst v1;
	v1 =	vld.idx.msk [tilespmem:v10+s10+$0x0], $0xffff  }
0x355: {  	[tilespmem:s21+$0xFFFFFBB0] =	vst v9;
	v4 =	vld [tilespmem:$0x40]  }
0x356: {  	v7 =	vld [tilespmem:$0x40];
	[tilespmem:s4+$0x10280] =	vst v6  }
0x357: {  	v6 =	vld [tilespmem:$0x40];
	[tilespmem:s15+$0x380] =	vst v3  }
0x358: {  	[tilespmem:s21+$0x30] =	vst v5;
	v3 =	vld [tilespmem:$0x150]  }
0x359: {  	v5 =	vld [tilespmem:$0x40];
	[tilespmem:s15+$0xFFFFFEF0] =	vst v2  }
0x35a: {  	v2 =	vadd.s32 s28, v4;
	v4 =	vld [tilespmem:$0x140];
	[tilespmem:s15+$0x130] =	vst v1  }
0x35b: {  	v1 =	vadd.s32 s8, v7;
	v7 =	vld [tilespmem:$0x140]  }
0x35c: {  	v6 =	vadd.s32 s5, v6;
	v8 =	vld [tilespmem:$0x140]  }
0x35d: {  	v3 =	vadd.s32 s19, v3;
	v0 =	vld.idx.msk [tilespmem:v0+s10+$0x0], $0xffff  }
0x35e: {  	v5 =	vadd.s32 s1, v5;
	v9 =	vld [tilespmem:$0x200]  }
0x35f: {  	v2 =	vld.idx.msk [tilespmem:v2+s10+$0x0], $0xffff;
	v4 =	vadd.s32 s20, v4  }
0x360: {  	v1 =	vld.idx.msk [tilespmem:v1+s10+$0x0], $0xffff;
	v7 =	vadd.s32 s22, v7  }
0x361: {  	v6 =	vld.idx.msk [tilespmem:v6+s10+$0x0], $0xffff;
	v8 =	vadd.s32 s23, v8  }
0x362: {  	v3 =	vld.idx.msk [tilespmem:v3+s10+$0x0], $0xffff  }
0x363: {  	v5 =	vld.idx.msk [tilespmem:v5+s10+$0x0], $0xffff;
	v9 =	vadd.s32 s17, v9;
	[tilespmem:s14+$0x1F0] =	vst v0  }
0x364: {  	v0 =	vld.idx.msk [tilespmem:v4+s10+$0x0], $0xffff  }
0x365: {  	[tilespmem:s21+$0x280] =	vst v2;
	v2 =	vld.idx.msk [tilespmem:v7+s10+$0x0], $0xffff  }
0x366: {  	[tilespmem:s21+$0xFFFFFBC0] =	vst v1;
	v1 =	vld [tilespmem:$0x50]  }
0x367: {  	v4 =	vld [tilespmem:$0x50];
	[tilespmem:s21+$0xFFFFFE00] =	vst v6  }
0x368: {  	v6 =	vld [tilespmem:$0x50];
	[tilespmem:s15+$0x390] =	vst v3  }
0x369: {  	[tilespmem:s21+$0x40] =	vst v5;
	v3 =	vld [tilespmem:$0x160]  }
0x36a: {  	v5 =	vld [tilespmem:$0x50];
	[tilespmem:s15+$0xFFFFFCC0] =	vst v0  }
0x36b: {  	v0 =	vadd.s32 s28, v1;
	[tilespmem:s15+$0xFFFFFF00] =	vst v2;
	v1 =	vld.idx.msk [tilespmem:v8+s10+$0x0], $0xffff  }
0x36c: {  	v2 =	vadd.s32 s8, v4;
	v4 =	vld [tilespmem:$0x150]  }
0x36d: {  	v6 =	vadd.s32 s5, v6;
	v7 =	vld [tilespmem:$0x150]  }
0x36e: {  	v3 =	vadd.s32 s19, v3;
	v8 =	vld [tilespmem:$0x200]  }
0x36f: {  	v5 =	vadd.s32 s1, v5;
	v10 =	vld [tilespmem:$0x200]  }
0x370: {  	v0 =	vld.idx.msk [tilespmem:v0+s10+$0x0], $0xffff  }
0x371: {  	v2 =	vld.idx.msk [tilespmem:v2+s10+$0x0], $0xffff;
	v4 =	vadd.s32 s20, v4;
	[tilespmem:s15+$0x140] =	vst v1  }
0x372: {  	v1 =	vld.idx.msk [tilespmem:v6+s10+$0x0], $0xffff;
	v6 =	vadd.s32 s22, v7  }
0x373: {  	v3 =	vld.idx.msk [tilespmem:v3+s10+$0x0], $0xffff;
	v7 =	vadd.s32 s16, v8  }
0x374: {  	v5 =	vld.idx.msk [tilespmem:v5+s10+$0x0], $0xffff;
	v8 =	vadd.s32 s18, v10  }
0x375: {  	v10 =	vld [tilespmem:$0x150]  }
0x376: {  	[tilespmem:s21+$0x290] =	vst v0;
	v0 =	vld.idx.msk [tilespmem:v4+s10+$0x0], $0xffff  }
0x377: {  	[tilespmem:s21+$0xFFFFFBD0] =	vst v2;
	v2 =	vld [tilespmem:$0x60]  }
0x378: {  	v4 =	vld [tilespmem:$0x60];
	[tilespmem:s21+$0xFFFFFE10] =	vst v1  }
0x379: {  	v1 =	vld [tilespmem:$0x60];
	[tilespmem:s15+$0x3A0] =	vst v3  }
0x37a: {  	[tilespmem:s21+$0x50] =	vst v5;
	v3 =	vadd.s32 s23, v10;
	v5 =	vld [tilespmem:$0x170]  }
0x37b: {  	v10 =	vld [tilespmem:$0x60]  }
0x37c: {  	v2 =	vadd.s32 s28, v2;
	[tilespmem:s15+$0xFFFFFCD0] =	vst v0;
	v0 =	vld.idx.msk [tilespmem:v6+s10+$0x0], $0xffff  }
0x37d: {  	v4 =	vadd.s32 s8, v4;
	v6 =	vld [tilespmem:$0x160]  }
0x37e: {  	v1 =	vadd.s32 s5, v1;
	v9 =	vld.idx.msk [tilespmem:v9+s10+$0x0], $0xffff  }
0x37f: {  	v3 =	vld.idx.msk [tilespmem:v3+s10+$0x0], $0xffff;
	v5 =	vadd.s32 s19, v5  }
0x380: {  	v10 =	vadd.s32 s1, v10;
	v7 =	vld.idx.msk [tilespmem:v7+s10+$0x0], $0xffff  }
0x381: {  	v2 =	vld.idx.msk [tilespmem:v2+s10+$0x0], $0xffff  }
0x382: {  	v4 =	vld.idx.msk [tilespmem:v4+s10+$0x0], $0xffff;
	v6 =	vadd.s32 s20, v6;
	[tilespmem:s15+$0xFFFFFF10] =	vst v0  }
0x383: {  	v0 =	vld.idx.msk [tilespmem:v1+s10+$0x0], $0xffff  }
0x384: {  	v1 =	vld.idx.msk [tilespmem:v5+s10+$0x0], $0xffff;
	[tilespmem:s14+$0xFFFFFD80] =	vst v9  }
0x385: {  	v5 =	vld.idx.msk [tilespmem:v10+s10+$0x0], $0xffff;
	[tilespmem:s15+$0x150] =	vst v3  }
0x386: {  	v3 =	vld [tilespmem:$0x160];
	[tilespmem:s14+$0xFFFFFFC0] =	vst v7  }
0x387: {  	[tilespmem:s21+$0x2A0] =	vst v2;
	v2 =	vld [tilespmem:$0x160]  }
0x388: {  	[tilespmem:s21+$0xFFFFFBE0] =	vst v4;
	v4 =	vld [tilespmem:$0x70]  }
0x389: {  	v7 =	vld [tilespmem:$0x70];
	[tilespmem:s21+$0xFFFFFE20] =	vst v0  }
0x38a: {  	v0 =	vld [tilespmem:$0x70];
	[tilespmem:s15+$0x3B0] =	vst v1  }
0x38b: {  	[tilespmem:s21+$0x60] =	vst v5;
	v1 =	vadd.s32 s22, v3;
	v3 =	vld [tilespmem:$0x180]  }
0x38c: {  	v5 =	vld [tilespmem:$0x70];
	v2 =	vadd.s32 s23, v2  }
0x38d: {  	v4 =	vadd.s32 s28, v4;
	v6 =	vld.idx.msk [tilespmem:v6+s10+$0x0], $0xffff  }
0x38e: {  	v7 =	vadd.s32 s8, v7;
	v8 =	vld.idx.msk [tilespmem:v8+s10+$0x0], $0xffff  }
0x38f: {  	v0 =	vadd.s32 s5, v0;
	v9 =	vld [tilespmem:$0x210]  }
0x390: {  	v1 =	vld.idx.msk [tilespmem:v1+s10+$0x0], $0xffff;
	v3 =	vadd.s32 s19, v3  }
0x391: {  	v5 =	vadd.s32 s1, v5;
	v2 =	vld.idx.msk [tilespmem:v2+s10+$0x0], $0xffff  }
0x392: {  	v4 =	vld.idx.msk [tilespmem:v4+s10+$0x0], $0xffff  }
0x393: {  	v7 =	vld.idx.msk [tilespmem:v7+s10+$0x0], $0xffff;
	[tilespmem:s15+$0xFFFFFCE0] =	vst v6  }
0x394: {  	v0 =	vld.idx.msk [tilespmem:v0+s10+$0x0], $0xffff;
	v6 =	vadd.s32 s17, v9;
	[tilespmem:s14+$0x200] =	vst v8  }
0x395: {  	v3 =	vld.idx.msk [tilespmem:v3+s10+$0x0], $0xffff  }
0x396: {  	v5 =	vld.idx.msk [tilespmem:v5+s10+$0x0], $0xffff;
	[tilespmem:s15+$0xFFFFFF20] =	vst v1  }
0x397: {  	v1 =	vld [tilespmem:$0x170];
	[tilespmem:s15+$0x160] =	vst v2  }
0x398: {  	[tilespmem:s21+$0x2B0] =	vst v4;
	v2 =	vld [tilespmem:$0x170]  }
0x399: {  	[tilespmem:s21+$0xFFFFFBF0] =	vst v7;
	v4 =	vld [tilespmem:$0x80]  }
0x39a: {  	v7 =	vld [tilespmem:$0x80];
	[tilespmem:s21+$0xFFFFFE30] =	vst v0  }
0x39b: {  	v0 =	vld [tilespmem:$0x80];
	[tilespmem:s15+$0x3C0] =	vst v3  }
0x39c: {  	[tilespmem:s21+$0x70] =	vst v5;
	v1 =	vadd.s32 s20, v1;
	v3 =	vld [tilespmem:$0x190]  }
0x39d: {  	v5 =	vld [tilespmem:$0x80];
	v2 =	vadd.s32 s22, v2  }
0x39e: {  	v4 =	vadd.s32 s28, v4;
	v8 =	vld [tilespmem:$0x170]  }
0x39f: {  	v7 =	vadd.s32 s8, v7;
	v9 =	vld [tilespmem:$0x210]  }
0x3a0: {  	v0 =	vadd.s32 s5, v0;
	v10 =	vld [tilespmem:$0x210]  }
0x3a1: {  	v1 =	vld.idx.msk [tilespmem:v1+s10+$0x0], $0xffff;
	v3 =	vadd.s32 s19, v3  }
0x3a2: {  	v5 =	vadd.s32 s1, v5;
	v2 =	vld.idx.msk [tilespmem:v2+s10+$0x0], $0xffff  }
0x3a3: {  	v4 =	vld.idx.msk [tilespmem:v4+s10+$0x0], $0xffff;
	v8 =	vadd.s32 s23, v8  }
0x3a4: {  	v7 =	vld.idx.msk [tilespmem:v7+s10+$0x0], $0xffff;
	v9 =	vadd.s32 s16, v9  }
0x3a5: {  	v0 =	vld.idx.msk [tilespmem:v0+s10+$0x0], $0xffff;
	v10 =	vadd.s32 s18, v10  }
0x3a6: {  	v3 =	vld.idx.msk [tilespmem:v3+s10+$0x0], $0xffff  }
0x3a7: {  	v5 =	vld.idx.msk [tilespmem:v5+s10+$0x0], $0xffff;
	[tilespmem:s15+$0xFFFFFCF0] =	vst v1  }
0x3a8: {  	[tilespmem:s15+$0xFFFFFF30] =	vst v2;
	v1 =	vld.idx.msk [tilespmem:v8+s10+$0x0], $0xffff  }
0x3a9: {  	[tilespmem:s21+$0x2C0] =	vst v4;
	v2 =	vld [tilespmem:$0x180]  }
0x3aa: {  	[tilespmem:s21+$0xFFFFFC00] =	vst v7;
	v4 =	vld [tilespmem:$0x90]  }
0x3ab: {  	v7 =	vld [tilespmem:$0x90];
	[tilespmem:s7+$0x10280] =	vst v0  }
0x3ac: {  	v0 =	vld [tilespmem:$0x90];
	[tilespmem:s24+$0x10400] =	vst v3;
	s24 =	smov.u32 s2  }
0x3ad: {  	[tilespmem:s21+$0x80] =	vst v5;
	v3 =	vld [tilespmem:$0x1A0]  }
0x3ae: {  	v5 =	vld [tilespmem:$0x90];
	v2 =	vadd.s32 s20, v2;
	[tilespmem:s15+$0x170] =	vst v1  }
0x3af: {  	v1 =	vadd.s32 s28, v4;
	v4 =	vld [tilespmem:$0x180]  }
0x3b0: {  	v7 =	vadd.s32 s8, v7;
	v8 =	vld [tilespmem:$0x180]  }
0x3b1: {  	v0 =	vadd.s32 s5, v0;
	v6 =	vld.idx.msk [tilespmem:v6+s10+$0x0], $0xffff  }
0x3b2: {  	v3 =	vadd.s32 s19, v3;
	v9 =	vld.idx.msk [tilespmem:v9+s10+$0x0], $0xffff  }
0x3b3: {  	v5 =	vadd.s32 s1, v5;
	v2 =	vld.idx.msk [tilespmem:v2+s10+$0x0], $0xffff  }
0x3b4: {  	v1 =	vld.idx.msk [tilespmem:v1+s10+$0x0], $0xffff;
	v4 =	vadd.s32 s22, v4  }
0x3b5: {  	v7 =	vld.idx.msk [tilespmem:v7+s10+$0x0], $0xffff;
	v8 =	vadd.s32 s23, v8  }
0x3b6: {  	v0 =	vld.idx.msk [tilespmem:v0+s10+$0x0], $0xffff  }
0x3b7: {  	v3 =	vld.idx.msk [tilespmem:v3+s10+$0x0], $0xffff;
	[tilespmem:s14+$0xFFFFFD90] =	vst v6  }
0x3b8: {  	v5 =	vld.idx.msk [tilespmem:v5+s10+$0x0], $0xffff;
	[tilespmem:s14+$0xFFFFFFD0] =	vst v9  }
0x3b9: {  	[tilespmem:s15+$0xFFFFFD00] =	vst v2;
	v2 =	vld.idx.msk [tilespmem:v4+s10+$0x0], $0xffff  }
0x3ba: {  	[tilespmem:s24+$0x10300] =	vst v1;
	v1 =	vld.idx.msk [tilespmem:v8+s10+$0x0], $0xffff  }
0x3bb: {  	[tilespmem:s21+$0xFFFFFC10] =	vst v7;
	v4 =	vld [tilespmem:$0xA0]  }
0x3bc: {  	v6 =	vld [tilespmem:$0xA0];
	[tilespmem:s3+$0x10280] =	vst v0  }
0x3bd: {  	v0 =	vld [tilespmem:$0xA0];
	[tilespmem:s25+$0x10400] =	vst v3;
	s25 =	smov.u32 s6  }
0x3be: {  	[tilespmem:s21+$0x90] =	vst v5;
	v3 =	vld [tilespmem:$0x1B0]  }
0x3bf: {  	v5 =	vld [tilespmem:$0xA0];
	[tilespmem:s15+$0xFFFFFF40] =	vst v2  }
0x3c0: {  	v2 =	vadd.s32 s28, v4;
	v4 =	vld [tilespmem:$0x190];
	[tilespmem:s15+$0x180] =	vst v1  }
0x3c1: {  	v1 =	vadd.s32 s8, v6;
	v6 =	vld [tilespmem:$0x190]  }
0x3c2: {  	v0 =	vadd.s32 s5, v0;
	v7 =	vld [tilespmem:$0x190]  }
0x3c3: {  	v3 =	vadd.s32 s19, v3;
	v8 =	vld.idx.msk [tilespmem:v10+s10+$0x0], $0xffff  }
0x3c4: {  	v5 =	vadd.s32 s1, v5;
	v9 =	vld [tilespmem:$0x220]  }
0x3c5: {  	v2 =	vld.idx.msk [tilespmem:v2+s10+$0x0], $0xffff;
	v4 =	vadd.s32 s20, v4  }
0x3c6: {  	v1 =	vld.idx.msk [tilespmem:v1+s10+$0x0], $0xffff;
	v6 =	vadd.s32 s22, v6  }
0x3c7: {  	v0 =	vld.idx.msk [tilespmem:v0+s10+$0x0], $0xffff;
	v7 =	vadd.s32 s23, v7  }
0x3c8: {  	v3 =	vld.idx.msk [tilespmem:v3+s10+$0x0], $0xffff  }
0x3c9: {  	v5 =	vld.idx.msk [tilespmem:v5+s10+$0x0], $0xffff;
	v9 =	vadd.s32 s17, v9;
	[tilespmem:s14+$0x210] =	vst v8  }
0x3ca: {  	v4 =	vld.idx.msk [tilespmem:v4+s10+$0x0], $0xffff  }
0x3cb: {  	[tilespmem:s25+$0x10300] =	vst v2;
	v2 =	vld.idx.msk [tilespmem:v6+s10+$0x0], $0xffff  }
0x3cc: {  	[tilespmem:s21+$0xFFFFFC20] =	vst v1;
	v1 =	vld [tilespmem:$0xB0]  }
0x3cd: {  	v6 =	vld [tilespmem:$0xB0];
	[tilespmem:s12+$0x10280] =	vst v0  }
0x3ce: {  	v0 =	vld [tilespmem:$0xB0];
	[tilespmem:s26+$0x10400] =	vst v3;
	s26 =	smov.u32 s11  }
0x3cf: {  	[tilespmem:s21+$0xA0] =	vst v5;
	v3 =	vld [tilespmem:$0x1C0]  }
0x3d0: {  	v5 =	vld [tilespmem:$0xB0];
	[tilespmem:s15+$0xFFFFFD10] =	vst v4  }
0x3d1: {  	v1 =	vadd.s32 s28, v1;
	[tilespmem:s15+$0xFFFFFF50] =	vst v2;
	v2 =	vld.idx.msk [tilespmem:v7+s10+$0x0], $0xffff  }
0x3d2: {  	v4 =	vadd.s32 s8, v6;
	v6 =	vld [tilespmem:$0x1A0]  }
0x3d3: {  	v0 =	vadd.s32 s5, v0;
	v7 =	vld [tilespmem:$0x1A0]  }
0x3d4: {  	v3 =	vadd.s32 s19, v3;
	v8 =	vld [tilespmem:$0x220]  }
0x3d5: {  	v5 =	vadd.s32 s1, v5;
	v10 =	vld [tilespmem:$0x220]  }
0x3d6: {  	v1 =	vld.idx.msk [tilespmem:v1+s10+$0x0], $0xffff  }
0x3d7: {  	v4 =	vld.idx.msk [tilespmem:v4+s10+$0x0], $0xffff;
	v6 =	vadd.s32 s20, v6;
	[tilespmem:s15+$0x190] =	vst v2  }
0x3d8: {  	v0 =	vld.idx.msk [tilespmem:v0+s10+$0x0], $0xffff;
	v2 =	vadd.s32 s22, v7  }
0x3d9: {  	v3 =	vld.idx.msk [tilespmem:v3+s10+$0x0], $0xffff;
	v7 =	vadd.s32 s16, v8  }
0x3da: {  	v5 =	vld.idx.msk [tilespmem:v5+s10+$0x0], $0xffff;
	v8 =	vadd.s32 s18, v10  }
0x3db: {  	v10 =	vld [tilespmem:$0x1A0]  }
0x3dc: {  	[tilespmem:s26+$0x10300] =	vst v1;
	v1 =	vld.idx.msk [tilespmem:v6+s10+$0x0], $0xffff  }
0x3dd: {  	[tilespmem:s21+$0xFFFFFC30] =	vst v4;
	v4 =	vld [tilespmem:$0xC0]  }
0x3de: {  	v6 =	vld [tilespmem:$0xC0];
	[tilespmem:s31+$0x10280] =	vst v0  }
0x3df: {  	v0 =	vld [tilespmem:$0xC0];
	[tilespmem:s15+$0x400] =	vst v3  }
0x3e0: {  	[tilespmem:s21+$0xB0] =	vst v5;
	v3 =	vadd.s32 s23, v10;
	v5 =	vld [tilespmem:$0x1D0]  }
0x3e1: {  	v10 =	vld [tilespmem:$0xC0]  }
0x3e2: {  	v4 =	vadd.s32 s28, v4;
	[tilespmem:s15+$0xFFFFFD20] =	vst v1;
	v1 =	vld.idx.msk [tilespmem:v2+s10+$0x0], $0xffff  }
0x3e3: {  	v2 =	vadd.s32 s8, v6;
	v6 =	vld [tilespmem:$0x1B0]  }
0x3e4: {  	v0 =	vadd.s32 s5, v0;
	v9 =	vld.idx.msk [tilespmem:v9+s10+$0x0], $0xffff  }
0x3e5: {  	v3 =	vld.idx.msk [tilespmem:v3+s10+$0x0], $0xffff;
	v5 =	vadd.s32 s19, v5  }
0x3e6: {  	v10 =	vadd.s32 s1, v10;
	v7 =	vld.idx.msk [tilespmem:v7+s10+$0x0], $0xffff  }
0x3e7: {  	v4 =	vld.idx.msk [tilespmem:v4+s10+$0x0], $0xffff  }
0x3e8: {  	v2 =	vld.idx.msk [tilespmem:v2+s10+$0x0], $0xffff;
	v6 =	vadd.s32 s20, v6;
	[tilespmem:s15+$0xFFFFFF60] =	vst v1  }
0x3e9: {  	v0 =	vld.idx.msk [tilespmem:v0+s10+$0x0], $0xffff  }
0x3ea: {  	v1 =	vld.idx.msk [tilespmem:v5+s10+$0x0], $0xffff;
	[tilespmem:s14+$0xFFFFFDA0] =	vst v9  }
0x3eb: {  	v5 =	vld.idx.msk [tilespmem:v10+s10+$0x0], $0xffff;
	[tilespmem:s15+$0x1A0] =	vst v3  }
0x3ec: {  	v3 =	vld [tilespmem:$0x1B0];
	[tilespmem:s14+$0xFFFFFFE0] =	vst v7  }
0x3ed: {  	[tilespmem:s21+$0x300] =	vst v4;
	v4 =	vld [tilespmem:$0x1B0]  }
0x3ee: {  	[tilespmem:s21+$0xFFFFFC40] =	vst v2;
	v2 =	vld [tilespmem:$0xD0]  }
0x3ef: {  	v7 =	vld [tilespmem:$0xD0];
	[tilespmem:s21+$0xFFFFFE80] =	vst v0  }
0x3f0: {  	v0 =	vld [tilespmem:$0xD0];
	[tilespmem:s15+$0x410] =	vst v1  }
0x3f1: {  	[tilespmem:s21+$0xC0] =	vst v5;
	v1 =	vadd.s32 s22, v3;
	v3 =	vld [tilespmem:$0x1E0]  }
0x3f2: {  	v5 =	vld [tilespmem:$0xD0];
	v4 =	vadd.s32 s23, v4  }
0x3f3: {  	v2 =	vadd.s32 s28, v2;
	v6 =	vld.idx.msk [tilespmem:v6+s10+$0x0], $0xffff  }
0x3f4: {  	v7 =	vadd.s32 s8, v7;
	v8 =	vld.idx.msk [tilespmem:v8+s10+$0x0], $0xffff  }
0x3f5: {  	v0 =	vadd.s32 s5, v0;
	v9 =	vld [tilespmem:$0x230]  }
0x3f6: {  	v1 =	vld.idx.msk [tilespmem:v1+s10+$0x0], $0xffff;
	v3 =	vadd.s32 s19, v3  }
0x3f7: {  	v5 =	vadd.s32 s1, v5;
	v4 =	vld.idx.msk [tilespmem:v4+s10+$0x0], $0xffff  }
0x3f8: {  	v2 =	vld.idx.msk [tilespmem:v2+s10+$0x0], $0xffff  }
0x3f9: {  	v7 =	vld.idx.msk [tilespmem:v7+s10+$0x0], $0xffff;
	[tilespmem:s15+$0xFFFFFD30] =	vst v6  }
0x3fa: {  	v0 =	vld.idx.msk [tilespmem:v0+s10+$0x0], $0xffff;
	v6 =	vadd.s32 s17, v9;
	[tilespmem:s14+$0x220] =	vst v8;
	s17 =	smov.u32 s20;
	s20 =	smov.u32 s8  }
0x3fb: {  	v3 =	vld.idx.msk [tilespmem:v3+s10+$0x0], $0xffff  }
0x3fc: {  	v5 =	vld.idx.msk [tilespmem:v5+s10+$0x0], $0xffff;
	[tilespmem:s15+$0xFFFFFF70] =	vst v1  }
0x3fd: {  	v1 =	vld [tilespmem:$0x1C0];
	[tilespmem:s15+$0x1B0] =	vst v4  }
0x3fe: {  	[tilespmem:s21+$0x310] =	vst v2;
	v2 =	vld [tilespmem:$0x1C0]  }
0x3ff: {  	[tilespmem:s21+$0xFFFFFC50] =	vst v7;
	v4 =	vld [tilespmem:$0xE0]  }
0x400: {  	v7 =	vld [tilespmem:$0xE0];
	[tilespmem:s21+$0xFFFFFE90] =	vst v0  }
0x401: {  	v0 =	vld [tilespmem:$0xE0];
	[tilespmem:s15+$0x420] =	vst v3  }
0x402: {  	[tilespmem:s21+$0xD0] =	vst v5;
	v1 =	vadd.s32 s17, v1;
	v3 =	vld [tilespmem:$0x1F0]  }
0x403: {  	v5 =	vld [tilespmem:$0xE0];
	v2 =	vadd.s32 s22, v2  }
0x404: {  	v4 =	vadd.s32 s28, v4;
	v8 =	vld [tilespmem:$0x1C0]  }
0x405: {  	v7 =	vadd.s32 s20, v7;
	v9 =	vld [tilespmem:$0x230]  }
0x406: {  	v0 =	vadd.s32 s5, v0;
	v10 =	vld [tilespmem:$0x230]  }
0x407: {  	v1 =	vld.idx.msk [tilespmem:v1+s10+$0x0], $0xffff;
	v3 =	vadd.s32 s19, v3  }
0x408: {  	v5 =	vadd.s32 s1, v5;
	v2 =	vld.idx.msk [tilespmem:v2+s10+$0x0], $0xffff  }
0x409: {  	v4 =	vld.idx.msk [tilespmem:v4+s10+$0x0], $0xffff;
	v8 =	vadd.s32 s23, v8  }
0x40a: {  	v7 =	vld.idx.msk [tilespmem:v7+s10+$0x0], $0xffff;
	v9 =	vadd.s32 s16, v9;
	s16 =	smov.u32 s22;
	s22 =	smov.u32 s5  }
0x40b: {  	v0 =	vld.idx.msk [tilespmem:v0+s10+$0x0], $0xffff;
	v10 =	vadd.s32 s18, v10;
	s18 =	smov.u32 s23;
	s23 =	smov.u32 s1  }
0x40c: {  	v3 =	vld.idx.msk [tilespmem:v3+s10+$0x0], $0xffff  }
0x40d: {  	v5 =	vld.idx.msk [tilespmem:v5+s10+$0x0], $0xffff;
	[tilespmem:s15+$0xFFFFFD40] =	vst v1  }
0x40e: {  	[tilespmem:s15+$0xFFFFFF80] =	vst v2;
	v1 =	vld.idx.msk [tilespmem:v8+s10+$0x0], $0xffff  }
0x40f: {  	[tilespmem:s21+$0x320] =	vst v4;
	v2 =	vld [tilespmem:$0x1D0]  }
0x410: {  	[tilespmem:s21+$0xFFFFFC60] =	vst v7;
	v4 =	vld [tilespmem:$0xF0]  }
0x411: {  	v7 =	vld [tilespmem:$0xF0];
	[tilespmem:s21+$0xFFFFFEA0] =	vst v0  }
0x412: {  	v0 =	vld [tilespmem:$0xF0];
	[tilespmem:s15+$0x430] =	vst v3  }
0x413: {  	[tilespmem:s21+$0xE0] =	vst v5;
	v3 =	vld [tilespmem:$0x200]  }
0x414: {  	v5 =	vld [tilespmem:$0xF0];
	v2 =	vadd.s32 s17, v2;
	[tilespmem:s15+$0x1C0] =	vst v1  }
0x415: {  	v1 =	vadd.s32 s28, v4;
	v4 =	vld [tilespmem:$0x1D0]  }
0x416: {  	v7 =	vadd.s32 s20, v7;
	v8 =	vld [tilespmem:$0x1D0]  }
0x417: {  	v0 =	vadd.s32 s22, v0;
	v6 =	vld.idx.msk [tilespmem:v6+s10+$0x0], $0xffff  }
0x418: {  	v3 =	vadd.s32 s19, v3;
	v9 =	vld.idx.msk [tilespmem:v9+s10+$0x0], $0xffff  }
0x419: {  	v5 =	vadd.s32 s23, v5;
	v2 =	vld.idx.msk [tilespmem:v2+s10+$0x0], $0xffff  }
0x41a: {  	v1 =	vld.idx.msk [tilespmem:v1+s10+$0x0], $0xffff;
	v4 =	vadd.s32 s16, v4  }
0x41b: {  	v7 =	vld.idx.msk [tilespmem:v7+s10+$0x0], $0xffff;
	v8 =	vadd.s32 s18, v8  }
0x41c: {  	v0 =	vld.idx.msk [tilespmem:v0+s10+$0x0], $0xffff  }
0x41d: {  	v3 =	vld.idx.msk [tilespmem:v3+s10+$0x0], $0xffff;
	[tilespmem:s14+$0xFFFFFDB0] =	vst v6  }
0x41e: {  	v5 =	vld.idx.msk [tilespmem:v5+s10+$0x0], $0xffff;
	[tilespmem:s14+$0xFFFFFFF0] =	vst v9  }
0x41f: {  	[tilespmem:s15+$0xFFFFFD50] =	vst v2;
	v2 =	vld.idx.msk [tilespmem:v4+s10+$0x0], $0xffff  }
0x420: {  	[tilespmem:s21+$0x330] =	vst v1;
	v1 =	vld.idx.msk [tilespmem:v8+s10+$0x0], $0xffff  }
0x421: {  	[tilespmem:s21+$0xFFFFFC70] =	vst v7;
	v4 =	vld [tilespmem:$0x100]  }
0x422: {  	v7 =	vld [tilespmem:$0x100];
	[tilespmem:s21+$0xFFFFFEB0] =	vst v0  }
0x423: {  	v0 =	vld [tilespmem:$0x100];
	[tilespmem:s15+$0x440] =	vst v3  }
0x424: {  	[tilespmem:s21+$0xF0] =	vst v5;
	v9 =	vld [tilespmem:$0x210]  }
.Ltmp0:
0x425: {  	v5 =	vld [tilespmem:$0x100];
	[tilespmem:s15+$0xFFFFFF90] =	vst v2;
	(pc) =	sbr.rel @p0 .LBB2_3-.Ltmp0, $4  }
0x426: {  	v6 =	vadd.s32 s28, v4;
	v2 =	vld [tilespmem:$0x1E0];
	[tilespmem:s15+$0x1D0] =	vst v1  }
0x427: {  	v7 =	vadd.s32 s20, v7;
	v3 =	vld [tilespmem:$0x1E0]  }
0x428: {  	v8 =	vadd.s32 s22, v0;
	v4 =	vld [tilespmem:$0x1E0]  }
0x429: {  	v1 =	vadd.s32 s19, v9;
	v0 =	vld.idx.msk [tilespmem:v10+s10+$0x0], $0xffff  }
0x42a: {  	_ =	sdelay $0x3  }
0x42b: {  	v5 =	vadd.s32 s23, v5;
	v6 =	vld.idx.msk [tilespmem:v6+s10+$0x0], $0xffff  }
0x42c: {  	v7 =	vld.idx.msk [tilespmem:v7+s10+$0x0], $0xffff;
	_ =	sdelay $0x1  }
0x42d: {  	v8 =	vld.idx.msk [tilespmem:v8+s10+$0x0], $0xffff;
	_ =	sdelay $0x1  }
0x42e: {  	v5 =	vld.idx.msk [tilespmem:v5+s10+$0x0], $0xffff;
	[tilespmem:s21+$0x340] =	vst v6  }
0x42f: {  	[tilespmem:s21+$0xFFFFFC80] =	vst v7;
	v6 =	vld [tilespmem:$0x110]  }
0x430: {  	v7 =	vld [tilespmem:$0x110]  }
0x431: {  	[tilespmem:s21+$0xFFFFFEC0] =	vst v8  }
0x432: {  	v8 =	vld [tilespmem:$0x110]  }
0x433: {  	[tilespmem:s21+$0x100] =	vst v5  }
0x434: {  	v5 =	vld [tilespmem:$0x110];
	v6 =	vadd.s32 s0, v6  }
0x435: {  	v7 =	vadd.s32 s20, v7;
	_ =	sdelay $0x1  }
0x436: {  	v8 =	vadd.s32 s22, v8;
	_ =	sdelay $0x1  }
0x437: {  	v5 =	vadd.s32 s23, v5;
	v6 =	vld.idx.msk [tilespmem:v6+s10+$0x0], $0xffff  }
0x438: {  	v7 =	vld.idx.msk [tilespmem:v7+s10+$0x0], $0xffff;
	_ =	sdelay $0x1  }
0x439: {  	v8 =	vld.idx.msk [tilespmem:v8+s10+$0x0], $0xffff;
	_ =	sdelay $0x1  }
0x43a: {  	v5 =	vld.idx.msk [tilespmem:v5+s10+$0x0], $0xffff;
	[tilespmem:s21+$0x350] =	vst v6  }
0x43b: {  	[tilespmem:s21+$0xFFFFFC90] =	vst v7;
	v6 =	vld [tilespmem:$0x120]  }
0x43c: {  	v7 =	vld [tilespmem:$0x120]  }
0x43d: {  	[tilespmem:s21+$0xFFFFFED0] =	vst v8  }
0x43e: {  	v14 =	vld [tilespmem:$0x120]  }
0x43f: {  	[tilespmem:s21+$0x110] =	vst v5  }
0x440: {  	v15 =	vld [tilespmem:$0x120];
	v6 =	vadd.s32 s0, v6  }
0x441: {  	v7 =	vadd.s32 s20, v7;
	_ =	sdelay $0x1  }
0x442: {  	v5 =	vadd.s32 s22, v14;
	_ =	sdelay $0x1  }
0x443: {  	v8 =	vadd.s32 s23, v15;
	v6 =	vld.idx.msk [tilespmem:v6+s10+$0x0], $0xffff  }
0x444: {  	v7 =	vld.idx.msk [tilespmem:v7+s10+$0x0], $0xffff;
	_ =	sdelay $0x1  }
0x445: {  	v5 =	vld.idx.msk [tilespmem:v5+s10+$0x0], $0xffff;
	_ =	sdelay $0x1  }
0x446: {  	v8 =	vld.idx.msk [tilespmem:v8+s10+$0x0], $0xffff;
	[tilespmem:s21+$0x360] =	vst v6  }
0x447: {  	[tilespmem:s21+$0xFFFFFCA0] =	vst v7;
	v6 =	vld [tilespmem:$0x130]  }
0x448: {  	v16 =	vld [tilespmem:$0x130]  }
0x449: {  	[tilespmem:s21+$0xFFFFFEE0] =	vst v5  }
0x44a: {  	v17 =	vld [tilespmem:$0x130]  }
0x44b: {  	[tilespmem:s21+$0x120] =	vst v8  }
0x44c: {  	v8 =	vld [tilespmem:$0x130];
	v6 =	vadd.s32 s0, v6  }
0x44d: {  	v5 =	vadd.s32 s20, v16;
	_ =	sdelay $0x1  }
0x44e: {  	v7 =	vadd.s32 s22, v17;
	_ =	sdelay $0x1  }
0x44f: {  	v8 =	vadd.s32 s23, v8;
	v6 =	vld.idx.msk [tilespmem:v6+s10+$0x0], $0xffff  }
0x450: {  	v5 =	vld.idx.msk [tilespmem:v5+s10+$0x0], $0xffff;
	_ =	sdelay $0x1  }
0x451: {  	v7 =	vld.idx.msk [tilespmem:v7+s10+$0x0], $0xffff;
	_ =	sdelay $0x1  }
0x452: {  	v8 =	vld.idx.msk [tilespmem:v8+s10+$0x0], $0xffff;
	[tilespmem:s21+$0x370] =	vst v6  }
0x453: {  	[tilespmem:s21+$0xFFFFFCB0] =	vst v5;
	v6 =	vld [tilespmem:$0x140]  }
0x454: {  	v5 =	vld [tilespmem:$0x140]  }
0x455: {  	[tilespmem:s21+$0xFFFFFEF0] =	vst v7  }
0x456: {  	v7 =	vld [tilespmem:$0x140]  }
0x457: {  	[tilespmem:s21+$0x130] =	vst v8  }
0x458: {  	v8 =	vld [tilespmem:$0x140];
	v6 =	vadd.s32 s0, v6  }
0x459: {  	v5 =	vadd.s32 s20, v5;
	_ =	sdelay $0x1  }
0x45a: {  	v7 =	vadd.s32 s22, v7;
	_ =	sdelay $0x1  }
0x45b: {  	v8 =	vadd.s32 s23, v8;
	v6 =	vld.idx.msk [tilespmem:v6+s10+$0x0], $0xffff  }
0x45c: {  	v5 =	vld.idx.msk [tilespmem:v5+s10+$0x0], $0xffff;
	_ =	sdelay $0x1  }
0x45d: {  	v7 =	vld.idx.msk [tilespmem:v7+s10+$0x0], $0xffff;
	_ =	sdelay $0x1  }
0x45e: {  	v8 =	vld.idx.msk [tilespmem:v8+s10+$0x0], $0xffff;
	[tilespmem:s21+$0x380] =	vst v6  }
0x45f: {  	[tilespmem:s21+$0xFFFFFCC0] =	vst v5;
	v6 =	vld [tilespmem:$0x150]  }
0x460: {  	v5 =	vld [tilespmem:$0x150]  }
0x461: {  	[tilespmem:s21+$0xFFFFFF00] =	vst v7  }
0x462: {  	v7 =	vld [tilespmem:$0x150]  }
0x463: {  	[tilespmem:s21+$0x140] =	vst v8  }
0x464: {  	v8 =	vld [tilespmem:$0x150];
	v6 =	vadd.s32 s0, v6  }
0x465: {  	v5 =	vadd.s32 s20, v5;
	_ =	sdelay $0x1  }
0x466: {  	v7 =	vadd.s32 s22, v7;
	_ =	sdelay $0x1  }
0x467: {  	v8 =	vadd.s32 s23, v8;
	v6 =	vld.idx.msk [tilespmem:v6+s10+$0x0], $0xffff  }
0x468: {  	v5 =	vld.idx.msk [tilespmem:v5+s10+$0x0], $0xffff;
	_ =	sdelay $0x1  }
0x469: {  	v7 =	vld.idx.msk [tilespmem:v7+s10+$0x0], $0xffff;
	_ =	sdelay $0x1  }
0x46a: {  	v8 =	vld.idx.msk [tilespmem:v8+s10+$0x0], $0xffff;
	[tilespmem:s21+$0x390] =	vst v6  }
0x46b: {  	[tilespmem:s21+$0xFFFFFCD0] =	vst v5;
	v6 =	vld [tilespmem:$0x160]  }
0x46c: {  	v5 =	vld [tilespmem:$0x160]  }
0x46d: {  	[tilespmem:s21+$0xFFFFFF10] =	vst v7  }
0x46e: {  	v7 =	vld [tilespmem:$0x160]  }
0x46f: {  	[tilespmem:s21+$0x150] =	vst v8  }
0x470: {  	v8 =	vld [tilespmem:$0x160];
	v6 =	vadd.s32 s0, v6  }
0x471: {  	v5 =	vadd.s32 s20, v5;
	_ =	sdelay $0x1  }
0x472: {  	v7 =	vadd.s32 s22, v7;
	_ =	sdelay $0x1  }
0x473: {  	v8 =	vadd.s32 s23, v8;
	v6 =	vld.idx.msk [tilespmem:v6+s10+$0x0], $0xffff  }
0x474: {  	v5 =	vld.idx.msk [tilespmem:v5+s10+$0x0], $0xffff;
	_ =	sdelay $0x1  }
0x475: {  	v7 =	vld.idx.msk [tilespmem:v7+s10+$0x0], $0xffff;
	_ =	sdelay $0x1  }
0x476: {  	v8 =	vld.idx.msk [tilespmem:v8+s10+$0x0], $0xffff;
	[tilespmem:s21+$0x3A0] =	vst v6  }
0x477: {  	[tilespmem:s21+$0xFFFFFCE0] =	vst v5;
	v6 =	vld [tilespmem:$0x170]  }
0x478: {  	v5 =	vld [tilespmem:$0x170]  }
0x479: {  	[tilespmem:s21+$0xFFFFFF20] =	vst v7  }
0x47a: {  	v7 =	vld [tilespmem:$0x170]  }
0x47b: {  	[tilespmem:s21+$0x160] =	vst v8  }
0x47c: {  	v8 =	vld [tilespmem:$0x170];
	v6 =	vadd.s32 s0, v6  }
0x47d: {  	v5 =	vadd.s32 s20, v5;
	_ =	sdelay $0x1  }
0x47e: {  	v7 =	vadd.s32 s22, v7;
	_ =	sdelay $0x1  }
0x47f: {  	v8 =	vadd.s32 s23, v8;
	v6 =	vld.idx.msk [tilespmem:v6+s10+$0x0], $0xffff  }
0x480: {  	v5 =	vld.idx.msk [tilespmem:v5+s10+$0x0], $0xffff;
	_ =	sdelay $0x1  }
0x481: {  	v7 =	vld.idx.msk [tilespmem:v7+s10+$0x0], $0xffff;
	_ =	sdelay $0x1  }
0x482: {  	v8 =	vld.idx.msk [tilespmem:v8+s10+$0x0], $0xffff;
	[tilespmem:s21+$0x3B0] =	vst v6  }
0x483: {  	[tilespmem:s21+$0xFFFFFCF0] =	vst v5;
	v6 =	vld [tilespmem:$0x180]  }
0x484: {  	v5 =	vld [tilespmem:$0x180]  }
0x485: {  	[tilespmem:s21+$0xFFFFFF30] =	vst v7  }
0x486: {  	v7 =	vld [tilespmem:$0x180]  }
0x487: {  	[tilespmem:s21+$0x170] =	vst v8  }
0x488: {  	v8 =	vld [tilespmem:$0x180];
	v6 =	vadd.s32 s0, v6  }
0x489: {  	v5 =	vadd.s32 s20, v5;
	_ =	sdelay $0x1  }
0x48a: {  	v7 =	vadd.s32 s22, v7;
	_ =	sdelay $0x1  }
0x48b: {  	v8 =	vadd.s32 s23, v8;
	v6 =	vld.idx.msk [tilespmem:v6+s10+$0x0], $0xffff  }
0x48c: {  	v5 =	vld.idx.msk [tilespmem:v5+s10+$0x0], $0xffff;
	_ =	sdelay $0x1  }
0x48d: {  	v7 =	vld.idx.msk [tilespmem:v7+s10+$0x0], $0xffff;
	_ =	sdelay $0x1  }
0x48e: {  	v8 =	vld.idx.msk [tilespmem:v8+s10+$0x0], $0xffff;
	[tilespmem:s21+$0x3C0] =	vst v6  }
0x48f: {  	[tilespmem:s21+$0xFFFFFD00] =	vst v5;
	v6 =	vld [tilespmem:$0x190]  }
0x490: {  	v5 =	vld [tilespmem:$0x190]  }
0x491: {  	[tilespmem:s21+$0xFFFFFF40] =	vst v7  }
0x492: {  	v7 =	vld [tilespmem:$0x190]  }
0x493: {  	[tilespmem:s21+$0x180] =	vst v8  }
0x494: {  	v8 =	vld [tilespmem:$0x190];
	v6 =	vadd.s32 s0, v6  }
0x495: {  	v5 =	vadd.s32 s20, v5;
	_ =	sdelay $0x1  }
0x496: {  	v7 =	vadd.s32 s22, v7;
	_ =	sdelay $0x1  }
0x497: {  	v8 =	vadd.s32 s23, v8;
	v6 =	vld.idx.msk [tilespmem:v6+s10+$0x0], $0xffff  }
0x498: {  	v5 =	vld.idx.msk [tilespmem:v5+s10+$0x0], $0xffff;
	_ =	sdelay $0x1  }
0x499: {  	v7 =	vld.idx.msk [tilespmem:v7+s10+$0x0], $0xffff;
	_ =	sdelay $0x1  }
0x49a: {  	v8 =	vld.idx.msk [tilespmem:v8+s10+$0x0], $0xffff;
	[tilespmem:s24+$0x10400] =	vst v6  }
0x49b: {  	[tilespmem:s21+$0xFFFFFD10] =	vst v5;
	v6 =	vld [tilespmem:$0x1A0]  }
0x49c: {  	v5 =	vld [tilespmem:$0x1A0]  }
0x49d: {  	[tilespmem:s21+$0xFFFFFF50] =	vst v7  }
0x49e: {  	v7 =	vld [tilespmem:$0x1A0]  }
0x49f: {  	[tilespmem:s21+$0x190] =	vst v8  }
0x4a0: {  	v8 =	vld [tilespmem:$0x1A0];
	v6 =	vadd.s32 s0, v6  }
0x4a1: {  	v5 =	vadd.s32 s20, v5;
	_ =	sdelay $0x1  }
0x4a2: {  	v7 =	vadd.s32 s22, v7;
	_ =	sdelay $0x1  }
0x4a3: {  	v8 =	vadd.s32 s23, v8;
	v6 =	vld.idx.msk [tilespmem:v6+s10+$0x0], $0xffff  }
0x4a4: {  	v5 =	vld.idx.msk [tilespmem:v5+s10+$0x0], $0xffff;
	_ =	sdelay $0x1  }
0x4a5: {  	v7 =	vld.idx.msk [tilespmem:v7+s10+$0x0], $0xffff;
	_ =	sdelay $0x1  }
0x4a6: {  	v8 =	vld.idx.msk [tilespmem:v8+s10+$0x0], $0xffff;
	[tilespmem:s25+$0x10400] =	vst v6  }
0x4a7: {  	[tilespmem:s21+$0xFFFFFD20] =	vst v5;
	v6 =	vld [tilespmem:$0x1B0]  }
0x4a8: {  	v5 =	vld [tilespmem:$0x1B0]  }
0x4a9: {  	[tilespmem:s21+$0xFFFFFF60] =	vst v7  }
0x4aa: {  	v7 =	vld [tilespmem:$0x1B0]  }
0x4ab: {  	[tilespmem:s21+$0x1A0] =	vst v8  }
0x4ac: {  	v8 =	vld [tilespmem:$0x1B0];
	v6 =	vadd.s32 s0, v6  }
0x4ad: {  	v5 =	vadd.s32 s20, v5;
	_ =	sdelay $0x1  }
0x4ae: {  	v7 =	vadd.s32 s22, v7;
	_ =	sdelay $0x1  }
0x4af: {  	v8 =	vadd.s32 s23, v8;
	v6 =	vld.idx.msk [tilespmem:v6+s10+$0x0], $0xffff  }
0x4b0: {  	v5 =	vld.idx.msk [tilespmem:v5+s10+$0x0], $0xffff;
	_ =	sdelay $0x1  }
0x4b1: {  	v7 =	vld.idx.msk [tilespmem:v7+s10+$0x0], $0xffff;
	_ =	sdelay $0x1  }
0x4b2: {  	v8 =	vld.idx.msk [tilespmem:v8+s10+$0x0], $0xffff;
	[tilespmem:s26+$0x10400] =	vst v6  }
0x4b3: {  	[tilespmem:s21+$0xFFFFFD30] =	vst v5;
	v6 =	vld [tilespmem:$0x1C0]  }
0x4b4: {  	v5 =	vld [tilespmem:$0x1C0]  }
0x4b5: {  	[tilespmem:s21+$0xFFFFFF70] =	vst v7  }
0x4b6: {  	v7 =	vld [tilespmem:$0x1C0]  }
0x4b7: {  	[tilespmem:s21+$0x1B0] =	vst v8  }
0x4b8: {  	v8 =	vld [tilespmem:$0x1C0];
	v6 =	vadd.s32 s0, v6  }
0x4b9: {  	v5 =	vadd.s32 s20, v5;
	_ =	sdelay $0x1  }
0x4ba: {  	v7 =	vadd.s32 s22, v7;
	_ =	sdelay $0x1  }
0x4bb: {  	v8 =	vadd.s32 s23, v8;
	v6 =	vld.idx.msk [tilespmem:v6+s10+$0x0], $0xffff  }
0x4bc: {  	v5 =	vld.idx.msk [tilespmem:v5+s10+$0x0], $0xffff;
	_ =	sdelay $0x1  }
0x4bd: {  	v2 =	vadd.s32 s17, v2;
	v7 =	vld.idx.msk [tilespmem:v7+s10+$0x0], $0xffff;
	_ =	sdelay $0x1  }
0x4be: {  	v8 =	vld.idx.msk [tilespmem:v8+s10+$0x0], $0xffff;
	[tilespmem:s21+$0x400] =	vst v6  }
0x4bf: {  	[tilespmem:s21+$0xFFFFFD40] =	vst v5;
	v6 =	vld [tilespmem:$0x1D0]  }
0x4c0: {  	v5 =	vld [tilespmem:$0x1D0]  }
0x4c1: {  	v3 =	vadd.s32 s16, v3;
	v2 =	vld.idx.msk [tilespmem:v2+s10+$0x0], $0xffff;
	[tilespmem:s21+$0xFFFFFF80] =	vst v7  }
0x4c2: {  	v7 =	vld [tilespmem:$0x1D0]  }
0x4c3: {  	[tilespmem:s21+$0x1C0] =	vst v8  }
0x4c4: {  	v8 =	vld [tilespmem:$0x1D0];
	v6 =	vadd.s32 s0, v6  }
0x4c5: {  	v5 =	vadd.s32 s20, v5  }
0x4c6: {  	v4 =	vadd.s32 s18, v4;
	v3 =	vld.idx.msk [tilespmem:v3+s10+$0x0], $0xffff;
	[tilespmem:s15+$0xFFFFFD60] =	vst v2  }
0x4c7: {  	v19 =	vld [tilespmem:$0x1F0];
	v7 =	vadd.s32 s22, v7;
	_ =	sdelay $0x1  }
0x4c8: {  	v8 =	vadd.s32 s23, v8;
	v6 =	vld.idx.msk [tilespmem:v6+s10+$0x0], $0xffff  }
0x4c9: {  	v5 =	vld.idx.msk [tilespmem:v5+s10+$0x0], $0xffff  }
0x4ca: {  	v4 =	vld.idx.msk [tilespmem:v4+s10+$0x0], $0xffff  }
0x4cb: {  	[tilespmem:s15+$0xFFFFFFA0] =	vst v3;
	v3 =	vadd.s32 s17, v19;
	v7 =	vld.idx.msk [tilespmem:v7+s10+$0x0], $0xffff  }
0x4cc: {  	v20 =	vld [tilespmem:$0x1F0]  }
0x4cd: {  	v18 =	vld.idx.msk [tilespmem:v8+s10+$0x0], $0xffff;
	[tilespmem:s21+$0x410] =	vst v6  }
0x4ce: {  	[tilespmem:s21+$0xFFFFFD50] =	vst v5;
	v6 =	vld [tilespmem:$0x1E0]  }
0x4cf: {  	v5 =	vld [tilespmem:$0x1E0]  }
0x4d0: {  	v3 =	vld.idx.msk [tilespmem:v3+s10+$0x0], $0xffff;
	[tilespmem:s21+$0xFFFFFF90] =	vst v7  }
0x4d1: {  	[tilespmem:s15+$0x1E0] =	vst v4;
	v21 =	vld [tilespmem:$0x1E0]  }
0x4d2: {  	v23 =	vld [tilespmem:$0x1F0];
	[tilespmem:s21+$0x1D0] =	vst v18  }
0x4d3: {  	v22 =	vld [tilespmem:$0x1E0];
	v6 =	vadd.s32 s0, v6  }
0x4d4: {  	v5 =	vadd.s32 s20, v5  }
0x4d5: {  	v8 =	vadd.s32 s16, v20  }
0x4d6: {  	[tilespmem:s15+$0xFFFFFD70] =	vst v3;
	v2 =	vadd.s32 s22, v21  }
0x4d7: {  	v25 =	vld [tilespmem:$0x200];
	v7 =	vadd.s32 s18, v23  }
0x4d8: {  	v4 =	vadd.s32 s23, v22;
	v6 =	vld.idx.msk [tilespmem:v6+s10+$0x0], $0xffff  }
0x4d9: {  	v5 =	vld.idx.msk [tilespmem:v5+s10+$0x0], $0xffff  }
0x4da: {  	v8 =	vld.idx.msk [tilespmem:v8+s10+$0x0], $0xffff  }
0x4db: {  	v2 =	vld.idx.msk [tilespmem:v2+s10+$0x0], $0xffff  }
0x4dc: {  	v24 =	vld.idx.msk [tilespmem:v7+s10+$0x0], $0xffff  }
0x4dd: {  	v4 =	vld.idx.msk [tilespmem:v4+s10+$0x0], $0xffff;
	[tilespmem:s21+$0x420] =	vst v6  }
0x4de: {  	[tilespmem:s21+$0xFFFFFD60] =	vst v5;
	v6 =	vld [tilespmem:$0x1F0]  }
0x4df: {  	v7 =	vadd.s32 s17, v25;
	v26 =	vld [tilespmem:$0x1F0]  }
0x4e0: {  	[tilespmem:s21+$0xFFFFFFA0] =	vst v2  }
0x4e1: {  	[tilespmem:s15+$0xFFFFFFB0] =	vst v8;
	v27 =	vld [tilespmem:$0x1F0]  }
0x4e2: {  	v29 =	vld [tilespmem:$0x200];
	[tilespmem:s21+$0x1E0] =	vst v4  }
0x4e3: {  	v28 =	vld [tilespmem:$0x1F0];
	v6 =	vadd.s32 s0, v6  }
0x4e4: {  	v7 =	vld.idx.msk [tilespmem:v7+s10+$0x0], $0xffff;
	v2 =	vadd.s32 s20, v26  }
0x4e5: {  	[tilespmem:s15+$0x1F0] =	vst v24  }
0x4e6: {  	v30 =	vld [tilespmem:$0x200];
	v4 =	vadd.s32 s22, v27  }
0x4e7: {  	v3 =	vadd.s32 s16, v29  }
0x4e8: {  	v5 =	vadd.s32 s23, v28;
	v6 =	vld.idx.msk [tilespmem:v6+s10+$0x0], $0xffff  }
0x4e9: {  	[tilespmem:s15+$0xFFFFFD80] =	vst v7;
	v2 =	vld.idx.msk [tilespmem:v2+s10+$0x0], $0xffff  }
0x4ea: {  	v31 =	vld [tilespmem:$0x210]  }
0x4eb: {  	v8 =	vadd.s32 s18, v30;
	v4 =	vld.idx.msk [tilespmem:v4+s10+$0x0], $0xffff  }
0x4ec: {  	v3 =	vld.idx.msk [tilespmem:v3+s10+$0x0], $0xffff  }
0x4ed: {  	v5 =	vld.idx.msk [tilespmem:v5+s10+$0x0], $0xffff;
	[tilespmem:s21+$0x430] =	vst v6  }
0x4ee: {  	[tilespmem:s21+$0xFFFFFD70] =	vst v2;
	v6 =	vld [tilespmem:$0x200]  }
0x4ef: {  	v2 =	vld [tilespmem:$0x200]  }
0x4f0: {  	v8 =	vld.idx.msk [tilespmem:v8+s10+$0x0], $0xffff;
	[tilespmem:s21+$0xFFFFFFB0] =	vst v4  }
0x4f1: {  	[tilespmem:s15+$0xFFFFFFC0] =	vst v3;
	v4 =	vld [tilespmem:$0x200]  }
0x4f2: {  	v32 =	vld [tilespmem:$0x210];
	[tilespmem:s21+$0x1F0] =	vst v5  }
0x4f3: {  	v5 =	vld [tilespmem:$0x200];
	v6 =	vadd.s32 s0, v6  }
0x4f4: {  	v2 =	vadd.s32 s20, v2  }
0x4f5: {  	v3 =	vadd.s32 s17, v31  }
0x4f6: {  	v1 =	vld.idx.msk [tilespmem:v1+s10+$0x0], $0xffff;
	[tilespmem:s15+$0x200] =	vst v8;
	v33 =	vadd.s32 s22, v4  }
0x4f7: {  	v8 =	vld [tilespmem:$0x210];
	v7 =	vadd.s32 s16, v32  }
0x4f8: {  	v5 =	vadd.s32 s23, v5;
	v6 =	vld.idx.msk [tilespmem:v6+s10+$0x0], $0xffff  }
0x4f9: {  	v2 =	vld.idx.msk [tilespmem:v2+s10+$0x0], $0xffff  }
0x4fa: {  	v3 =	vld.idx.msk [tilespmem:v3+s10+$0x0], $0xffff  }
0x4fb: {  	[tilespmem:s15+$0x450] =	vst v1;
	v1 =	vld.idx.msk [tilespmem:v33+s10+$0x0], $0xffff  }
0x4fc: {  	v7 =	vld.idx.msk [tilespmem:v7+s10+$0x0], $0xffff  }
0x4fd: {  	v5 =	vld.idx.msk [tilespmem:v5+s10+$0x0], $0xffff;
	[tilespmem:s21+$0x440] =	vst v6  }
0x4fe: {  	[tilespmem:s21+$0xFFFFFD80] =	vst v2;
	v6 =	vld [tilespmem:$0x210]  }
0x4ff: {  	[tilespmem:s15+$0xFFFFFD90] =	vst v3;
	v35 =	vld [tilespmem:$0x210]  }
0x500: {  	v3 =	vld [tilespmem:$0x220];
	[tilespmem:s21+$0xFFFFFFC0] =	vst v1  }
0x501: {  	v38 =	vadd.s32 s18, v8;
	v37 =	vld [tilespmem:$0x210]  }
0x502: {  	[tilespmem:s21+$0x200] =	vst v5  }
0x503: {  	v39 =	vld [tilespmem:$0x210];
	v6 =	vadd.s32 s0, v6  }
0x504: {  	v1 =	vadd.s32 s20, v35  }
0x505: {  	v34 =	vld [tilespmem:$0x220];
	v3 =	vadd.s32 s17, v3  }
0x506: {  	[tilespmem:s15+$0xFFFFFFD0] =	vst v7;
	v5 =	vld.idx.msk [tilespmem:v38+s10+$0x0], $0xffff;
	v4 =	vadd.s32 s22, v37  }
0x507: {  	v41 =	vld [tilespmem:$0x220]  }
0x508: {  	v40 =	vadd.s32 s23, v39;
	v6 =	vld.idx.msk [tilespmem:v6+s10+$0x0], $0xffff  }
0x509: {  	v1 =	vld.idx.msk [tilespmem:v1+s10+$0x0], $0xffff  }
0x50a: {  	v3 =	vld.idx.msk [tilespmem:v3+s10+$0x0], $0xffff  }
0x50b: {  	v36 =	vadd.s32 s19, v34;
	[tilespmem:s15+$0x210] =	vst v5;
	v4 =	vld.idx.msk [tilespmem:v4+s10+$0x0], $0xffff  }
0x50c: {  	v43 =	vld [tilespmem:$0x220]  }
0x50d: {  	v42 =	vld.idx.msk [tilespmem:v40+s10+$0x0], $0xffff;
	[tilespmem:s21+$0x450] =	vst v6  }
0x50e: {  	[tilespmem:s21+$0xFFFFFD90] =	vst v1;
	v6 =	vld [tilespmem:$0x220]  }
0x50f: {  	v44 =	vadd.s32 s16, v41;
	v1 =	vld [tilespmem:$0x220]  }
0x510: {  	v2 =	vld.idx.msk [tilespmem:v36+s10+$0x0], $0xffff;
	[tilespmem:s21+$0xFFFFFFD0] =	vst v4  }
0x511: {  	v7 =	vadd.s32 s18, v43;
	v45 =	vld [tilespmem:$0x220]  }
0x512: {  	[tilespmem:s21+$0x210] =	vst v42  }
0x513: {  	v46 =	vld [tilespmem:$0x220];
	v47 =	vadd.s32 s0, v6  }
0x514: {  	[tilespmem:s15+$0xFFFFFDA0] =	vst v3;
	v4 =	vld.idx.msk [tilespmem:v44+s10+$0x0], $0xffff;
	v1 =	vadd.s32 s20, v1  }
0x515: {  	v51 =	vld [tilespmem:$0x230]  }
0x516: {  	[tilespmem:s15+$0x460] =	vst v2;
	v49 =	vld.idx.msk [tilespmem:v7+s10+$0x0], $0xffff;
	v5 =	vadd.s32 s22, v45  }
0x517: {  	v48 =	vld [tilespmem:$0x230]  }
0x518: {  	v50 =	vadd.s32 s23, v46;
	v2 =	vld.idx.msk [tilespmem:v47+s10+$0x0], $0xffff  }
0x519: {  	[tilespmem:s15+$0xFFFFFFE0] =	vst v4;
	v1 =	vld.idx.msk [tilespmem:v1+s10+$0x0], $0xffff  }
0x51a: {  	v53 =	vld [tilespmem:$0x230]  }
0x51b: {  	[tilespmem:s15+$0x220] =	vst v49;
	v5 =	vld.idx.msk [tilespmem:v5+s10+$0x0], $0xffff  }
0x51c: {  	v54 =	vld [tilespmem:$0x230]  }
0x51d: {  	v52 =	vld.idx.msk [tilespmem:v50+s10+$0x0], $0xffff;
	[tilespmem:s21+$0x460] =	vst v2  }
0x51e: {  	[tilespmem:s21+$0xFFFFFDA0] =	vst v1;
	v2 =	vld [tilespmem:$0x230]  }
0x51f: {  	v57 =	vadd.s32 s17, v51;
	v56 =	vld [tilespmem:$0x230]  }
0x520: {  	v55 =	vadd.s32 s19, v48  }
0x521: {  	v3 =	vadd.s32 s16, v53;
	[tilespmem:s21+$0xFFFFFFE0] =	vst v5  }
0x522: {  	v7 =	vadd.s32 s18, v54;
	v58 =	vld [tilespmem:$0x230];
	[tilespmem:s21+$0x220] =	vst v52  }
0x523: {  	v59 =	vld [tilespmem:$0x230];
	v2 =	vadd.s32 s0, v2  }
0x524: {  	v6 =	vld.idx.msk [tilespmem:v57+s10+$0x0], $0xffff;
	v5 =	vadd.s32 s20, v56  }
0x525: {  	v1 =	vld.idx.msk [tilespmem:v55+s10+$0x0], $0xffff  }
0x526: {  	v3 =	vld.idx.msk [tilespmem:v3+s10+$0x0], $0xffff  }
0x527: {  	v7 =	vld.idx.msk [tilespmem:v7+s10+$0x0], $0xffff;
	v4 =	vadd.s32 s22, v58  }
0x528: {  	[tilespmem:s14+$0x230] =	vst v0;
	v8 =	vadd.s32 s23, v59;
	v60 =	vld.idx.msk [tilespmem:v2+s10+$0x0], $0xffff  }
0x529: {  	[tilespmem:s15+$0xFFFFFDB0] =	vst v6;
	v61 =	vld.idx.msk [tilespmem:v5+s10+$0x0], $0xffff  }
0x52a: {  	[tilespmem:s15+$0x470] =	vst v1  }
0x52b: {  	[tilespmem:s15+$0xFFFFFFF0] =	vst v3  }
0x52c: {  	[tilespmem:s15+$0x230] =	vst v7;
	v62 =	vld.idx.msk [tilespmem:v4+s10+$0x0], $0xffff  }
0x52d: {  	v63 =	vld.idx.msk [tilespmem:v8+s10+$0x0], $0xffff;
	[tilespmem:s21+$0x470] =	vst v60  }
0x52e: {  	s29 =	smul.u32 $0x240, s13;
	[tilespmem:s21+$0xFFFFFDB0] =	vst v61  }
0x52f: {  	s1 =	rddreg [dreg:$0x5]  }
0x530: {  	s0 =	sadd.s32 s1, s29  }
0x531: {  	s30 =	rddreg [dreg:$0x1];
	s5 =	simm.s32 $0x0;
	[tilespmem:s21+$0xFFFFFFF0] =	vst v62;
	s0 =	sshrl.u32 s0, $0x3  }
.Ltmp1:
0x532: {  	s31 =	simm.s32 $0x10280;
	s0 =	sadd.s32 s30, s0;
	[tilespmem:s21+$0x230] =	vst v63;
	(pc) =	sbr.rel @p1 .LBB2_2-.Ltmp1, $4  }
0x533: {  	[hbm4b:s0+s5] =	stream.linear.scatter [tilespmem:s31], [sflag:$0x1], $0x9000, $0x38;
	[tilespmem:$0x19280] =	vst v63  }
0x534: {  	_ =	swait.ge [sflag:s9], $0x9000  }
0x535: {  	[sflag:s9] =	ssyncset.done $0x0  }
0x536: {  	p0 =	por $0x0, $0x0;
	s0 =	simm.s32 $0x40;
	[sflag:s9] =	ssyncadd.s32 $0xFFFF7000  }
0x537: {  	s1 =	rddreg [dreg:$0x7]  }
0x538: {  	s0 =	rddreg [dreg:$0x6];
	s1 =	sadd.s32 $0x1, s1  }
0x539: {  	p0 =	sne.s32 s1, s0  }
.Ltmp2:
0x53a: {  	_ = 	snop;
	(pc) =	sbr.rel @p0 .LBB2_1-.Ltmp2, $1  }
0x53b: {  	_ =	sdelay $0x3  }
0x53c: {  	_ =	sfence.sel $0x180000  }
0x53d: {  	[bflag:$0x0] =	sbarrier.arrive $0xFFFF  }
0x53e: {  	_ =	strace $0x90000047  }
0x53f: {  	s0 =	stileid.u32;
	[bflag:$0x2] =	sbarrier.arrive $0xFFFF  }
0x540: {  	p0 =	sne.s32 s0, $0x0;
	s0 =	rddreg [dreg:$0x2]  }
0x541: {  	s0 =	sadd.s32 @!p0 $0x100000, s0  }
0x542: {  	[sflag:s0] =	ssyncadd.tile.s32 @!p0 $0x1;
	_ =	shalt  }
.Lfunc_end2:
_tile_overlayer_lowered:
.L_overlay_start_2:
0x543: {  	(tag) =	ssettag $0x2  }
0x544: {  	s0 =	rddreg [dreg:$0x0];
	s2 =	stileid.u32  }
0x545: {  	s1 =	rddreg [dreg:$0x1];
	p0 =	sne.s32 s2, $0x0  }
0x546: {  	s3 =	rddreg [dreg:$0x2];
	[bflag:$0x3] =	sbarrier.arrive $0xFFFF;
	s2 =	simm.s32 @!p0 $0x1C01  }
0x547: {  	[timem:s3], [sflag:s2] =	dma.local @!p0 [hbm:s0], s1  }
0x548: {  	s0 =	simm.s32 @!p0 $0x1  }
0x549: {  	_ =	swait.ge @!p0 [sflag:s0], s1  }
0x54a: {  	s1 =	ssub.s32 @!p0 $0x0, s1;
	[sflag:s0] =	ssyncset.done @!p0 $0x0  }
0x54b: {  	[sflag:s0] =	ssyncadd.s32 @!p0 s1  }
0x54c: {  	[bflag:$0x3] =	sbarrier.arrive $0xFFFF  }
0x54d: {  	_ =	shalt  }

</sc_bundles>
